<compile_context>
chip_gen: v7x
topology: tpu7x:2x2x1
jax: 0.10.2.dev20260603
libtpu: 0.0.44.dev20260713+nightly
codegen_flags: <defaults>
</compile_context>

<pallas_src>
import functools

import jax
import jax.numpy as jnp
from jax import lax
from jax.experimental import pallas as pl
from jax.experimental.pallas import tpu as pltpu
from jax.experimental.pallas import tpu_sc as plsc

NC = 2
NS = 16
NW = NC * NS
LANES = 16
CHUNK = 5120
UNROLL = 8
RB = 1024
TC_STEPS = 35


@functools.lru_cache(maxsize=None)
def _sc_partial_matmul(nnz: int, start: int, ch: int):
    n_edges = nnz - start
    assert n_edges % ch == 0 and start % ch == 0 and ch % 128 == 0
    assert ch % (LANES * UNROLL) == 0
    n_chunks = n_edges // ch
    assert n_chunks >= NW
    mesh = plsc.VectorSubcoreMesh(core_axis_name="c", subcore_axis_name="s")

    @functools.partial(
        pl.kernel,
        mesh=mesh,
        compiler_params=pltpu.CompilerParams(needs_layout_passes=False),
        out_type=jax.ShapeDtypeStruct((NW * 4 * LANES,), jnp.float32),
        scratch_types=[
            pltpu.VMEM((2, ch), jnp.float32),
            pltpu.VMEM((2, ch), jnp.float32),
            pltpu.VMEM((2, ch), jnp.float32),
            pltpu.VMEM((2, ch), jnp.float32),
            pltpu.VMEM((4 * LANES,), jnp.float32),
            pltpu.SemaphoreType.DMA,
            pltpu.SemaphoreType.DMA,
        ],
    )
    def k(t_hbm, w_hbm, out_hbm, t_a, t_b, w_a, w_b, acc_v, sem_a, sem_b):
        wid = lax.axis_index("s") * NC + lax.axis_index("c")
        my_n = (n_chunks - wid + NW - 1) // NW
        zero = jnp.zeros((LANES,), jnp.float32)
        zeros8 = (zero,) * 8

        def start_dma(i, t_buf, w_buf, sem):
            off = start + (wid + i * NW) * ch
            pltpu.async_copy(t_hbm.at[:, pl.ds(off, ch)], t_buf, sem)
            pltpu.async_copy(w_hbm.at[:, pl.ds(off, ch)], w_buf, sem)

        def wait_dma(t_buf, w_buf, sem):
            pltpu.make_async_copy(t_hbm.at[:, pl.ds(0, ch)], t_buf, sem).wait()
            pltpu.make_async_copy(w_hbm.at[:, pl.ds(0, ch)], w_buf, sem).wait()

        def compute(t_buf, w_buf, accs):
            def step(s, accs2):
                (a00, a01, a10, a11, b00, b01, b10, b11) = accs2
                for u in range(UNROLL):
                    base = (s * UNROLL + u) * LANES
                    t0 = t_buf[0, pl.ds(base, LANES)]
                    t1 = t_buf[1, pl.ds(base, LANES)]
                    w0 = w_buf[0, pl.ds(base, LANES)]
                    w1 = w_buf[1, pl.ds(base, LANES)]
                    if u % 2 == 0:
                        a00 += t0 * w0
                        a01 += t0 * w1
                        a10 += t1 * w0
                        a11 += t1 * w1
                    else:
                        b00 += t0 * w0
                        b01 += t0 * w1
                        b10 += t1 * w0
                        b11 += t1 * w1
                return (a00, a01, a10, a11, b00, b01, b10, b11)

            return lax.fori_loop(0, ch // (LANES * UNROLL), step, accs)

        start_dma(0, t_a, w_a, sem_a)

        def pair_body(p, accs):
            i1 = 2 * p + 1

            @pl.when(i1 < my_n)
            def _():
                start_dma(i1, t_b, w_b, sem_b)

            wait_dma(t_a, w_a, sem_a)
            accs = compute(t_a, w_a, accs)

            @pl.when(i1 + 1 < my_n)
            def _():
                start_dma(i1 + 1, t_a, w_a, sem_a)

            def odd(accs2):
                wait_dma(t_b, w_b, sem_b)
                return compute(t_b, w_b, accs2)

            return lax.cond(i1 < my_n, odd, lambda a: a, accs)

        accs = lax.fori_loop(0, (my_n + 1) // 2, pair_body, zeros8)
        (a00, a01, a10, a11, b00, b01, b10, b11) = accs
        acc_v[pl.ds(0, LANES)] = a00 + b00
        acc_v[pl.ds(LANES, LANES)] = a01 + b01
        acc_v[pl.ds(2 * LANES, LANES)] = a10 + b10
        acc_v[pl.ds(3 * LANES, LANES)] = a11 + b11
        pltpu.sync_copy(acc_v, out_hbm.at[pl.ds(wid * 4 * LANES, 4 * LANES)])

    return k


def _tc_block(t_ref, w_ref, out_ref):
    @pl.when(pl.program_id(0) == 0)
    def _():
        out_ref[...] = jnp.zeros_like(out_ref)

    even = (lax.broadcasted_iota(jnp.int32, (8, 128), 0) % 2) == 0
    zeros = jnp.zeros((8, 128), jnp.float32)
    tc_unroll = 8
    n_acc = 4

    def body(j, accs):
        ads = list(accs[:n_acc])
        acs = list(accs[n_acc:])
        for u in range(tc_unroll):
            base = (j * tc_unroll + u) * 8
            tj = t_ref[pl.ds(base, 8), :]
            wj = w_ref[pl.ds(base, 8), :]
            w_up = pltpu.roll(wj, 7, 0)
            w_dn = pltpu.roll(wj, 1, 0)
            ws = jnp.where(even, w_up, w_dn)
            ads[u % n_acc] += tj * wj
            acs[u % n_acc] += tj * ws
        return tuple(ads) + tuple(acs)

    accs = lax.fori_loop(
        0, RB // (8 * tc_unroll), body, (zeros,) * (2 * n_acc))
    out_ref[0] += sum(accs[:n_acc], zeros)
    out_ref[1] += sum(accs[n_acc:], zeros)


@functools.lru_cache(maxsize=None)
def _tc_partial_matmul(n_steps: int):
    return pl.pallas_call(
        _tc_block,
        grid=(n_steps,),
        in_specs=[
            pl.BlockSpec((RB, 128), lambda i: (i, 0)),
            pl.BlockSpec((RB, 128), lambda i: (i, 0)),
        ],
        out_specs=pl.BlockSpec((2, 8, 128), lambda i: (0, 0, 0)),
        out_shape=jax.ShapeDtypeStruct((2, 8, 128), jnp.float32),
    )


def kernel(temp2, weight, bias):
    nnz = temp2.shape[1]
    nb = nnz // 128
    wt = weight.T
    vt = temp2.reshape(2, nb, 128).transpose(1, 0, 2).reshape(2 * nb, 128)
    vw = wt.reshape(2, nb, 128).transpose(1, 0, 2).reshape(2 * nb, 128)

    tc_edges = RB * 64 * TC_STEPS
    partials = _sc_partial_matmul(nnz, tc_edges, CHUNK)(temp2, wt)
    tc_acc = _tc_partial_matmul(TC_STEPS)(vt, vw)

    s = jnp.sum(partials.reshape(NW, 4, LANES), axis=(0, 2))
    pd, pc = tc_acc[0], tc_acc[1]
    t00 = jnp.sum(pd[0::2])
    t11 = jnp.sum(pd[1::2])
    t01 = jnp.sum(pc[0::2])
    t10 = jnp.sum(pc[1::2])
    tc_mat = jnp.stack([jnp.stack([t00, t01]), jnp.stack([t10, t11])])
    x = s.reshape(2, 2) + tc_mat + bias
    return jax.nn.relu(x)

# --- scband reference (transcript-rebuilt; emitter-appended) ---
"""Pipeline reference for scband-mymodel-19327352832016 (READ-ONLY COPY).

The authoritative reference and input builder live on the scoring server;
editing this copy changes nothing except your own understanding.
"""

import jax, jax.numpy as jnp
import numpy as np

N_NODES = 100000
N_EDGES = 6400000
WC = 2


def setup_inputs(seed: int = 0) -> dict:
    key = jax.random.key(seed)
    k1, k2, k3 = jax.random.split(key, 3)
    # temp2 mirrors self.temp2: a [2, nnz] tensor built from the COO row/col index
    # lists of AF, then used as a *float* operand in the matmul (faithful to the
    # original code, which matmuls the index tensor directly).
    idx = jax.random.randint(k1, (2, N_EDGES), 0, N_NODES)
    temp2 = idx.astype(jnp.float32)
    # weight: Parameter of shape [AF.size (=nnz), weight_channel], xavier-uniform init
    limit_w = float(np.sqrt(6.0 / (N_EDGES + WC)))
    weight = jax.random.uniform(k2, (N_EDGES, WC), dtype=jnp.float32, minval=-limit_w, maxval=limit_w)
    # bias: Parameter of shape [weight_channel, 1], xavier-uniform init
    limit_b = float(np.sqrt(6.0 / (WC + 1)))
    bias = jax.random.uniform(k3, (WC, 1), dtype=jnp.float32, minval=-limit_b, maxval=limit_b)
    return {"temp2": temp2, "weight": weight, "bias": bias}


def reference(temp2, weight, bias):
    # x = F.relu(torch.matmul(self.temp2, self.weight) + self.bias)
    # [2, nnz] @ [nnz, wc] -> [2, wc]; bias [wc, 1] broadcasts (wc == 2)
    x = jax.nn.relu(jnp.matmul(temp2, weight) + bias)
    return x

if __name__ == "__main__":
    import jax
    _d = setup_inputs()
    print(jax.jit(kernel)(*tuple(_d.values())))

</pallas_src>

<mosaic_0001>
#map = affine_map<(d0, d1) -> (0, 0)>
#map1 = affine_map<(d0, d1) -> (0)>
module attributes {stable_mosaic.version = 14 : i64} {
  func.func @k(%arg0: i32, %arg1: i32, %arg2: memref<2x6400000xf32, #tpu.memory_space<hbm>>, %arg3: memref<2x6400000xf32, #tpu.memory_space<hbm>>, %arg4: memref<2048xf32, #tpu.memory_space<hbm>>, %arg5: memref<2x5120xf32, #tpu.memory_space<vmem>>, %arg6: memref<2x5120xf32, #tpu.memory_space<vmem>>, %arg7: memref<2x5120xf32, #tpu.memory_space<vmem>>, %arg8: memref<2x5120xf32, #tpu.memory_space<vmem>>, %arg9: memref<64xf32, #tpu.memory_space<vmem>>, %arg10: memref<!tpu.dma_semaphore, #tpu.memory_space<semaphore_mem>>, %arg11: memref<!tpu.dma_semaphore, #tpu.memory_space<semaphore_mem>>) attributes {dimension_semantics = [#tpu.dimension_semantics<core_parallel>, #tpu.dimension_semantics<subcore_parallel>], iteration_bounds = array<i64: 2, 16>, scalar_prefetch = 0 : i64, scratch_operands = 7 : i64, tpu.core_type = #tpu.core_type<sc_vector_subcore>, window_params = [{transform_indices = #map}, {transform_indices = #map}, {transform_indices = #map1}]} {
    %mul3A = arith.constant 2 : i32
    %mul3A_0 = arith.muli %arg1, %mul3A : i32
    %add3A = arith.addi %mul3A_0, %arg0 : i32
    %sub3A = arith.constant 802 : i32
    %sub3A_1 = arith.subi %sub3A, %add3A : i32
    %add3A_2 = arith.constant 32 : i32
    %add3A_3 = arith.addi %sub3A_1, %add3A_2 : i32
    %sub3A_4 = arith.constant 1 : i32
    %sub3A_5 = arith.subi %add3A_3, %sub3A_4 : i32
    %jit3A = arith.constant 32 : i32
    %div3A = arith.divsi %sub3A_5, %jit3A : i32
    %sign3A = arith.constant 0 : i32
    %sign3A_6 = arith.cmpi sgt, %sub3A_5, %sign3A : i32
    %sign3A_7 = arith.extui %sign3A_6 : i1 to i32
    %sign3A_8 = arith.constant 0 : i32
    %sign3A_9 = arith.cmpi slt, %sub3A_5, %sign3A_8 : i32
    %sign3A_10 = arith.extui %sign3A_9 : i1 to i32
    %sign3A_11 = arith.subi %sign3A_7, %sign3A_10 : i32
    %sign3A_12 = arith.constant 0 : i32
    %sign3A_13 = arith.cmpi sgt, %jit3A, %sign3A_12 : i32
    %sign3A_14 = arith.extui %sign3A_13 : i1 to i32
    %sign3A_15 = arith.constant 0 : i32
    %sign3A_16 = arith.cmpi slt, %jit3A, %sign3A_15 : i32
    %sign3A_17 = arith.extui %sign3A_16 : i1 to i32
    %sign3A_18 = arith.subi %sign3A_14, %sign3A_17 : i32
    %ne3A = arith.cmpi ne, %sign3A_11, %sign3A_18 : i32
    %rem3A = arith.remsi %sub3A_5, %jit3A : i32
    %ne3A_19 = arith.constant 0 : i32
    %ne3A_20 = arith.cmpi ne, %rem3A, %ne3A_19 : i32
    %and3A = arith.andi %ne3A, %ne3A_20 : i1
    %sub3A_21 = arith.constant 1 : i32
    %sub3A_22 = arith.subi %div3A, %sub3A_21 : i32
    %select_n3A = arith.select %and3A, %sub3A_22, %div3A : i32
    %broadcast_in_dim3A = arith.constant 0.000000e+00 : f32
    %broadcast_in_dim3A_23 = vector.broadcast %broadcast_in_dim3A : f32 to vector<16xf32>
    %add3A_24 = arith.constant 0 : i32
    %add3A_25 = arith.addi %add3A, %add3A_24 : i32
    %mul3A_26 = arith.constant 5120 : i32
    %mul3A_27 = arith.muli %add3A_25, %mul3A_26 : i32
    %add3A_28 = arith.constant 2293760 : i32
    %add3A_29 = arith.addi %add3A_28, %mul3A_27 : i32
    %dma_start3A = arith.constant 0 : i32
    %dma_start3A_30 = tpu.memref_slice %arg2[%dma_start3A, %add3A_29] : memref<2x6400000xf32, #tpu.memory_space<hbm>> -> memref<2x5120xf32, #tpu.memory_space<hbm>>
    %dma_start3A_31 = arith.constant 0 : i32
    %dma_start3A_32 = tpu.memref_slice %arg2[%dma_start3A_31, %add3A_29] : memref<2x6400000xf32, #tpu.memory_space<hbm>> -> memref<2x5120xf32, #tpu.memory_space<hbm>>
    tpu.enqueue_dma source(%dma_start3A_32 : memref<2x5120xf32, #tpu.memory_space<hbm>>) target(%arg5 : memref<2x5120xf32, #tpu.memory_space<vmem>>) target_semaphore(%arg10 : memref<!tpu.dma_semaphore, #tpu.memory_space<semaphore_mem>>)
    %dma_start3A_33 = arith.constant 0 : i32
    %dma_start3A_34 = tpu.memref_slice %arg3[%dma_start3A_33, %add3A_29] : memref<2x6400000xf32, #tpu.memory_space<hbm>> -> memref<2x5120xf32, #tpu.memory_space<hbm>>
    %dma_start3A_35 = arith.constant 0 : i32
    %dma_start3A_36 = tpu.memref_slice %arg3[%dma_start3A_35, %add3A_29] : memref<2x6400000xf32, #tpu.memory_space<hbm>> -> memref<2x5120xf32, #tpu.memory_space<hbm>>
    tpu.enqueue_dma source(%dma_start3A_36 : memref<2x5120xf32, #tpu.memory_space<hbm>>) target(%arg7 : memref<2x5120xf32, #tpu.memory_space<vmem>>) target_semaphore(%arg10 : memref<!tpu.dma_semaphore, #tpu.memory_space<semaphore_mem>>)
    %add3A_37 = arith.constant 1 : i32
    %add3A_38 = arith.addi %select_n3A, %add3A_37 : i32
    %jit3A_39 = arith.constant 2 : i32
    %div3A_40 = arith.divsi %add3A_38, %jit3A_39 : i32
    %sign3A_41 = arith.constant 0 : i32
    %sign3A_42 = arith.cmpi sgt, %add3A_38, %sign3A_41 : i32
    %sign3A_43 = arith.extui %sign3A_42 : i1 to i32
    %sign3A_44 = arith.constant 0 : i32
    %sign3A_45 = arith.cmpi slt, %add3A_38, %sign3A_44 : i32
    %sign3A_46 = arith.extui %sign3A_45 : i1 to i32
    %sign3A_47 = arith.subi %sign3A_43, %sign3A_46 : i32
    %sign3A_48 = arith.constant 0 : i32
    %sign3A_49 = arith.cmpi sgt, %jit3A_39, %sign3A_48 : i32
    %sign3A_50 = arith.extui %sign3A_49 : i1 to i32
    %sign3A_51 = arith.constant 0 : i32
    %sign3A_52 = arith.cmpi slt, %jit3A_39, %sign3A_51 : i32
    %sign3A_53 = arith.extui %sign3A_52 : i1 to i32
    %sign3A_54 = arith.subi %sign3A_50, %sign3A_53 : i32
    %ne3A_55 = arith.cmpi ne, %sign3A_47, %sign3A_54 : i32
    %rem3A_56 = arith.remsi %add3A_38, %jit3A_39 : i32
    %ne3A_57 = arith.constant 0 : i32
    %ne3A_58 = arith.cmpi ne, %rem3A_56, %ne3A_57 : i32
    %and3A_59 = arith.andi %ne3A_55, %ne3A_58 : i1
    %sub3A_60 = arith.constant 1 : i32
    %sub3A_61 = arith.subi %div3A_40, %sub3A_60 : i32
    %select_n3A_62 = arith.select %and3A_59, %sub3A_61, %div3A_40 : i32
    %while3A = arith.constant 0 : i32
    %while3A_63 = arith.subi %select_n3A_62, %while3A : i32
    %while3A_64 = arith.addi %while3A, %while3A_63 : i32
    %while3A_65 = arith.constant 1 : i32
    %while3A_66 = arith.divsi %while3A_63, %while3A_65 : i32
    %while3A_67 = arith.muli %while3A_66, %while3A_65 : i32
    %while3A_68 = arith.addi %while3A, %while3A_67 : i32
    %while3A_69 = arith.constant 1 : i32
    %while3A_70:8 = scf.for %while3A_88 = %while3A to %while3A_68 step %while3A_69 iter_args(%while3A_89 = %broadcast_in_dim3A_23, %while3A_90 = %broadcast_in_dim3A_23, %while3A_91 = %broadcast_in_dim3A_23, %while3A_92 = %broadcast_in_dim3A_23, %while3A_93 = %broadcast_in_dim3A_23, %while3A_94 = %broadcast_in_dim3A_23, %while3A_95 = %broadcast_in_dim3A_23, %while3A_96 = %broadcast_in_dim3A_23) -> (vector<16xf32>, vector<16xf32>, vector<16xf32>, vector<16xf32>, vector<16xf32>, vector<16xf32>, vector<16xf32>, vector<16xf32>)  : i32 {
      %mul3A_97 = arith.constant 2 : i32
      %mul3A_98 = arith.muli %mul3A_97, %while3A_88 : i32
      %add3A_99 = arith.constant 1 : i32
      %add3A_100 = arith.addi %mul3A_98, %add3A_99 : i32
      %lt3A = arith.cmpi slt, %add3A_100, %select_n3A : i32
      %convert_element_type3A = arith.extui %lt3A : i1 to i32
      %cond3A = arith.constant 0 : i32
      %cond3A_101 = arith.cmpi ne, %convert_element_type3A, %cond3A : i32
      scf.if %cond3A_101 {
        %mul3A_129 = arith.constant 32 : i32
        %mul3A_130 = arith.muli %add3A_100, %mul3A_129 : i32
        %add3A_131 = arith.addi %add3A, %mul3A_130 : i32
        %mul3A_132 = arith.constant 5120 : i32
        %mul3A_133 = arith.muli %add3A_131, %mul3A_132 : i32
        %add3A_134 = arith.constant 2293760 : i32
        %add3A_135 = arith.addi %add3A_134, %mul3A_133 : i32
        %dma_start3A_136 = arith.constant 0 : i32
        %dma_start3A_137 = tpu.memref_slice %arg2[%dma_start3A_136, %add3A_135] : memref<2x6400000xf32, #tpu.memory_space<hbm>> -> memref<2x5120xf32, #tpu.memory_space<hbm>>
        %dma_start3A_138 = arith.constant 0 : i32
        %dma_start3A_139 = tpu.memref_slice %arg2[%dma_start3A_138, %add3A_135] : memref<2x6400000xf32, #tpu.memory_space<hbm>> -> memref<2x5120xf32, #tpu.memory_space<hbm>>
        tpu.enqueue_dma source(%dma_start3A_139 : memref<2x5120xf32, #tpu.memory_space<hbm>>) target(%arg6 : memref<2x5120xf32, #tpu.memory_space<vmem>>) target_semaphore(%arg11 : memref<!tpu.dma_semaphore, #tpu.memory_space<semaphore_mem>>)
        %dma_start3A_140 = arith.constant 0 : i32
        %dma_start3A_141 = tpu.memref_slice %arg3[%dma_start3A_140, %add3A_135] : memref<2x6400000xf32, #tpu.memory_space<hbm>> -> memref<2x5120xf32, #tpu.memory_space<hbm>>
        %dma_start3A_142 = arith.constant 0 : i32
        %dma_start3A_143 = tpu.memref_slice %arg3[%dma_start3A_142, %add3A_135] : memref<2x6400000xf32, #tpu.memory_space<hbm>> -> memref<2x5120xf32, #tpu.memory_space<hbm>>
        tpu.enqueue_dma source(%dma_start3A_143 : memref<2x5120xf32, #tpu.memory_space<hbm>>) target(%arg8 : memref<2x5120xf32, #tpu.memory_space<vmem>>) target_semaphore(%arg11 : memref<!tpu.dma_semaphore, #tpu.memory_space<semaphore_mem>>)
      } else {
      }
      %dma_wait3A = arith.constant 0 : i32
      %dma_wait3A_102 = arith.constant 0 : i32
      %dma_wait3A_103 = tpu.memref_slice %arg2[%dma_wait3A, %dma_wait3A_102] : memref<2x6400000xf32, #tpu.memory_space<hbm>> -> memref<2x5120xf32, #tpu.memory_space<hbm>>
      %dma_wait3A_104 = arith.constant 0 : i32
      %dma_wait3A_105 = arith.constant 0 : i32
      %dma_wait3A_106 = tpu.memref_slice %arg2[%dma_wait3A_104, %dma_wait3A_105] : memref<2x6400000xf32, #tpu.memory_space<hbm>> -> memref<2x5120xf32, #tpu.memory_space<hbm>>
      tpu.wait_dma2 semaphore(%arg10 : memref<!tpu.dma_semaphore, #tpu.memory_space<semaphore_mem>>) src(%dma_wait3A_106 : memref<2x5120xf32, #tpu.memory_space<hbm>>) dst(%arg5 : memref<2x5120xf32, #tpu.memory_space<vmem>>)
      %dma_wait3A_107 = arith.constant 0 : i32
      %dma_wait3A_108 = arith.constant 0 : i32
      %dma_wait3A_109 = tpu.memref_slice %arg3[%dma_wait3A_107, %dma_wait3A_108] : memref<2x6400000xf32, #tpu.memory_space<hbm>> -> memref<2x5120xf32, #tpu.memory_space<hbm>>
      %dma_wait3A_110 = arith.constant 0 : i32
      %dma_wait3A_111 = arith.constant 0 : i32
      %dma_wait3A_112 = tpu.memref_slice %arg3[%dma_wait3A_110, %dma_wait3A_111] : memref<2x6400000xf32, #tpu.memory_space<hbm>> -> memref<2x5120xf32, #tpu.memory_space<hbm>>
      tpu.wait_dma2 semaphore(%arg10 : memref<!tpu.dma_semaphore, #tpu.memory_space<semaphore_mem>>) src(%dma_wait3A_112 : memref<2x5120xf32, #tpu.memory_space<hbm>>) dst(%arg7 : memref<2x5120xf32, #tpu.memory_space<vmem>>)
      %scan3A = arith.constant 0 : i32
      %scan3A_113 = arith.constant 40 : i32
      %scan3A_114 = arith.addi %scan3A, %scan3A_113 : i32
      %scan3A_115 = arith.constant 1 : i32
      %scan3A_116:8 = scf.for %scan3A_129 = %scan3A to %scan3A_114 step %scan3A_115 iter_args(%scan3A_130 = %while3A_89, %scan3A_131 = %while3A_90, %scan3A_132 = %while3A_91, %scan3A_133 = %while3A_92, %scan3A_134 = %while3A_93, %scan3A_135 = %while3A_94, %scan3A_136 = %while3A_95, %scan3A_137 = %while3A_96) -> (vector<16xf32>, vector<16xf32>, vector<16xf32>, vector<16xf32>, vector<16xf32>, vector<16xf32>, vector<16xf32>, vector<16xf32>)  : i32 {
        %mul3A_138 = arith.constant 8 : i32
        %mul3A_139 = arith.muli %scan3A_129, %mul3A_138 : i32
        %add3A_140 = arith.constant 0 : i32
        %add3A_141 = arith.addi %mul3A_139, %add3A_140 : i32
        %mul3A_142 = arith.constant 16 : i32
        %mul3A_143 = arith.muli %add3A_141, %mul3A_142 : i32
        %get3A = arith.constant 0 : i32
        %get3A_144 = arith.index_cast %get3A : i32 to index
        %get3A_145 = arith.index_cast %mul3A_143 : i32 to index
        %get3A_146 = tpu.vector_load %arg5[%get3A_144, %get3A_145] {strides = array<i32>} : memref<2x5120xf32, #tpu.memory_space<vmem>>, vector<16xf32>,
        %get3A_147 = arith.constant 1 : i32
        %get3A_148 = arith.index_cast %get3A_147 : i32 to index
        %get3A_149 = arith.index_cast %mul3A_143 : i32 to index
        %get3A_150 = tpu.vector_load %arg5[%get3A_148, %get3A_149] {strides = array<i32>} : memref<2x5120xf32, #tpu.memory_space<vmem>>, vector<16xf32>,
        %get3A_151 = arith.constant 0 : i32
        %get3A_152 = arith.index_cast %get3A_151 : i32 to index
        %get3A_153 = arith.index_cast %mul3A_143 : i32 to index
        %get3A_154 = tpu.vector_load %arg7[%get3A_152, %get3A_153] {strides = array<i32>} : memref<2x5120xf32, #tpu.memory_space<vmem>>, vector<16xf32>,
        %get3A_155 = arith.constant 1 : i32
        %get3A_156 = arith.index_cast %get3A_155 : i32 to index
        %get3A_157 = arith.index_cast %mul3A_143 : i32 to index
        %get3A_158 = tpu.vector_load %arg7[%get3A_156, %get3A_157] {strides = array<i32>} : memref<2x5120xf32, #tpu.memory_space<vmem>>, vector<16xf32>,
        %mul3A_159 = arith.mulf %get3A_146, %get3A_154 : vector<16xf32>
        %add3A_160 = arith.addf %scan3A_130, %mul3A_159 : vector<16xf32>
        %mul3A_161 = arith.mulf %get3A_146, %get3A_158 : vector<16xf32>
        %add3A_162 = arith.addf %scan3A_131, %mul3A_161 : vector<16xf32>
        %mul3A_163 = arith.mulf %get3A_150, %get3A_154 : vector<16xf32>
        %add3A_164 = arith.addf %scan3A_132, %mul3A_163 : vector<16xf32>
        %mul3A_165 = arith.mulf %get3A_150, %get3A_158 : vector<16xf32>
        %add3A_166 = arith.addf %scan3A_133, %mul3A_165 : vector<16xf32>
        %mul3A_167 = arith.constant 8 : i32
        %mul3A_168 = arith.muli %scan3A_129, %mul3A_167 : i32
        %add3A_169 = arith.constant 1 : i32
        %add3A_170 = arith.addi %mul3A_168, %add3A_169 : i32
        %mul3A_171 = arith.constant 16 : i32
        %mul3A_172 = arith.muli %add3A_170, %mul3A_171 : i32
        %get3A_173 = arith.constant 0 : i32
        %get3A_174 = arith.index_cast %get3A_173 : i32 to index
        %get3A_175 = arith.index_cast %mul3A_172 : i32 to index
        %get3A_176 = tpu.vector_load %arg5[%get3A_174, %get3A_175] {strides = array<i32>} : memref<2x5120xf32, #tpu.memory_space<vmem>>, vector<16xf32>,
        %get3A_177 = arith.constant 1 : i32
        %get3A_178 = arith.index_cast %get3A_177 : i32 to index
        %get3A_179 = arith.index_cast %mul3A_172 : i32 to index
        %get3A_180 = tpu.vector_load %arg5[%get3A_178, %get3A_179] {strides = array<i32>} : memref<2x5120xf32, #tpu.memory_space<vmem>>, vector<16xf32>,
        %get3A_181 = arith.constant 0 : i32
        %get3A_182 = arith.index_cast %get3A_181 : i32 to index
        %get3A_183 = arith.index_cast %mul3A_172 : i32 to index
        %get3A_184 = tpu.vector_load %arg7[%get3A_182, %get3A_183] {strides = array<i32>} : memref<2x5120xf32, #tpu.memory_space<vmem>>, vector<16xf32>,
        %get3A_185 = arith.constant 1 : i32
        %get3A_186 = arith.index_cast %get3A_185 : i32 to index
        %get3A_187 = arith.index_cast %mul3A_172 : i32 to index
        %get3A_188 = tpu.vector_load %arg7[%get3A_186, %get3A_187] {strides = array<i32>} : memref<2x5120xf32, #tpu.memory_space<vmem>>, vector<16xf32>,
        %mul3A_189 = arith.mulf %get3A_176, %get3A_184 : vector<16xf32>
        %add3A_190 = arith.addf %scan3A_134, %mul3A_189 : vector<16xf32>
        %mul3A_191 = arith.mulf %get3A_176, %get3A_188 : vector<16xf32>
        %add3A_192 = arith.addf %scan3A_135, %mul3A_191 : vector<16xf32>
        %mul3A_193 = arith.mulf %get3A_180, %get3A_184 : vector<16xf32>
        %add3A_194 = arith.addf %scan3A_136, %mul3A_193 : vector<16xf32>
        %mul3A_195 = arith.mulf %get3A_180, %get3A_188 : vector<16xf32>
        %add3A_196 = arith.addf %scan3A_137, %mul3A_195 : vector<16xf32>
        %mul3A_197 = arith.constant 8 : i32
        %mul3A_198 = arith.muli %scan3A_129, %mul3A_197 : i32
        %add3A_199 = arith.constant 2 : i32
        %add3A_200 = arith.addi %mul3A_198, %add3A_199 : i32
        %mul3A_201 = arith.constant 16 : i32
        %mul3A_202 = arith.muli %add3A_200, %mul3A_201 : i32
        %get3A_203 = arith.constant 0 : i32
        %get3A_204 = arith.index_cast %get3A_203 : i32 to index
        %get3A_205 = arith.index_cast %mul3A_202 : i32 to index
        %get3A_206 = tpu.vector_load %arg5[%get3A_204, %get3A_205] {strides = array<i32>} : memref<2x5120xf32, #tpu.memory_space<vmem>>, vector<16xf32>,
        %get3A_207 = arith.constant 1 : i32
        %get3A_208 = arith.index_cast %get3A_207 : i32 to index
        %get3A_209 = arith.index_cast %mul3A_202 : i32 to index
        %get3A_210 = tpu.vector_load %arg5[%get3A_208, %get3A_209] {strides = array<i32>} : memref<2x5120xf32, #tpu.memory_space<vmem>>, vector<16xf32>,
        %get3A_211 = arith.constant 0 : i32
        %get3A_212 = arith.index_cast %get3A_211 : i32 to index
        %get3A_213 = arith.index_cast %mul3A_202 : i32 to index
        %get3A_214 = tpu.vector_load %arg7[%get3A_212, %get3A_213] {strides = array<i32>} : memref<2x5120xf32, #tpu.memory_space<vmem>>, vector<16xf32>,
        %get3A_215 = arith.constant 1 : i32
        %get3A_216 = arith.index_cast %get3A_215 : i32 to index
        %get3A_217 = arith.index_cast %mul3A_202 : i32 to index
        %get3A_218 = tpu.vector_load %arg7[%get3A_216, %get3A_217] {strides = array<i32>} : memref<2x5120xf32, #tpu.memory_space<vmem>>, vector<16xf32>,
        %mul3A_219 = arith.mulf %get3A_206, %get3A_214 : vector<16xf32>
        %add3A_220 = arith.addf %add3A_160, %mul3A_219 : vector<16xf32>
        %mul3A_221 = arith.mulf %get3A_206, %get3A_218 : vector<16xf32>
        %add3A_222 = arith.addf %add3A_162, %mul3A_221 : vector<16xf32>
        %mul3A_223 = arith.mulf %get3A_210, %get3A_214 : vector<16xf32>
        %add3A_224 = arith.addf %add3A_164, %mul3A_223 : vector<16xf32>
        %mul3A_225 = arith.mulf %get3A_210, %get3A_218 : vector<16xf32>
        %add3A_226 = arith.addf %add3A_166, %mul3A_225 : vector<16xf32>
        %mul3A_227 = arith.constant 8 : i32
        %mul3A_228 = arith.muli %scan3A_129, %mul3A_227 : i32
        %add3A_229 = arith.constant 3 : i32
        %add3A_230 = arith.addi %mul3A_228, %add3A_229 : i32
        %mul3A_231 = arith.constant 16 : i32
        %mul3A_232 = arith.muli %add3A_230, %mul3A_231 : i32
        %get3A_233 = arith.constant 0 : i32
        %get3A_234 = arith.index_cast %get3A_233 : i32 to index
        %get3A_235 = arith.index_cast %mul3A_232 : i32 to index
        %get3A_236 = tpu.vector_load %arg5[%get3A_234, %get3A_235] {strides = array<i32>} : memref<2x5120xf32, #tpu.memory_space<vmem>>, vector<16xf32>,
        %get3A_237 = arith.constant 1 : i32
        %get3A_238 = arith.index_cast %get3A_237 : i32 to index
        %get3A_239 = arith.index_cast %mul3A_232 : i32 to index
        %get3A_240 = tpu.vector_load %arg5[%get3A_238, %get3A_239] {strides = array<i32>} : memref<2x5120xf32, #tpu.memory_space<vmem>>, vector<16xf32>,
        %get3A_241 = arith.constant 0 : i32
        %get3A_242 = arith.index_cast %get3A_241 : i32 to index
        %get3A_243 = arith.index_cast %mul3A_232 : i32 to index
        %get3A_244 = tpu.vector_load %arg7[%get3A_242, %get3A_243] {strides = array<i32>} : memref<2x5120xf32, #tpu.memory_space<vmem>>, vector<16xf32>,
        %get3A_245 = arith.constant 1 : i32
        %get3A_246 = arith.index_cast %get3A_245 : i32 to index
        %get3A_247 = arith.index_cast %mul3A_232 : i32 to index
        %get3A_248 = tpu.vector_load %arg7[%get3A_246, %get3A_247] {strides = array<i32>} : memref<2x5120xf32, #tpu.memory_space<vmem>>, vector<16xf32>,
        %mul3A_249 = arith.mulf %get3A_236, %get3A_244 : vector<16xf32>
        %add3A_250 = arith.addf %add3A_190, %mul3A_249 : vector<16xf32>
        %mul3A_251 = arith.mulf %get3A_236, %get3A_248 : vector<16xf32>
        %add3A_252 = arith.addf %add3A_192, %mul3A_251 : vector<16xf32>
        %mul3A_253 = arith.mulf %get3A_240, %get3A_244 : vector<16xf32>
        %add3A_254 = arith.addf %add3A_194, %mul3A_253 : vector<16xf32>
        %mul3A_255 = arith.mulf %get3A_240, %get3A_248 : vector<16xf32>
        %add3A_256 = arith.addf %add3A_196, %mul3A_255 : vector<16xf32>
        %mul3A_257 = arith.constant 8 : i32
        %mul3A_258 = arith.muli %scan3A_129, %mul3A_257 : i32
        %add3A_259 = arith.constant 4 : i32
        %add3A_260 = arith.addi %mul3A_258, %add3A_259 : i32
        %mul3A_261 = arith.constant 16 : i32
        %mul3A_262 = arith.muli %add3A_260, %mul3A_261 : i32
        %get3A_263 = arith.constant 0 : i32
        %get3A_264 = arith.index_cast %get3A_263 : i32 to index
        %get3A_265 = arith.index_cast %mul3A_262 : i32 to index
        %get3A_266 = tpu.vector_load %arg5[%get3A_264, %get3A_265] {strides = array<i32>} : memref<2x5120xf32, #tpu.memory_space<vmem>>, vector<16xf32>,
        %get3A_267 = arith.constant 1 : i32
        %get3A_268 = arith.index_cast %get3A_267 : i32 to index
        %get3A_269 = arith.index_cast %mul3A_262 : i32 to index
        %get3A_270 = tpu.vector_load %arg5[%get3A_268, %get3A_269] {strides = array<i32>} : memref<2x5120xf32, #tpu.memory_space<vmem>>, vector<16xf32>,
        %get3A_271 = arith.constant 0 : i32
        %get3A_272 = arith.index_cast %get3A_271 : i32 to index
        %get3A_273 = arith.index_cast %mul3A_262 : i32 to index
        %get3A_274 = tpu.vector_load %arg7[%get3A_272, %get3A_273] {strides = array<i32>} : memref<2x5120xf32, #tpu.memory_space<vmem>>, vector<16xf32>,
        %get3A_275 = arith.constant 1 : i32
        %get3A_276 = arith.index_cast %get3A_275 : i32 to index
        %get3A_277 = arith.index_cast %mul3A_262 : i32 to index
        %get3A_278 = tpu.vector_load %arg7[%get3A_276, %get3A_277] {strides = array<i32>} : memref<2x5120xf32, #tpu.memory_space<vmem>>, vector<16xf32>,
        %mul3A_279 = arith.mulf %get3A_266, %get3A_274 : vector<16xf32>
        %add3A_280 = arith.addf %add3A_220, %mul3A_279 : vector<16xf32>
        %mul3A_281 = arith.mulf %get3A_266, %get3A_278 : vector<16xf32>
        %add3A_282 = arith.addf %add3A_222, %mul3A_281 : vector<16xf32>
        %mul3A_283 = arith.mulf %get3A_270, %get3A_274 : vector<16xf32>
        %add3A_284 = arith.addf %add3A_224, %mul3A_283 : vector<16xf32>
        %mul3A_285 = arith.mulf %get3A_270, %get3A_278 : vector<16xf32>
        %add3A_286 = arith.addf %add3A_226, %mul3A_285 : vector<16xf32>
        %mul3A_287 = arith.constant 8 : i32
        %mul3A_288 = arith.muli %scan3A_129, %mul3A_287 : i32
        %add3A_289 = arith.constant 5 : i32
        %add3A_290 = arith.addi %mul3A_288, %add3A_289 : i32
        %mul3A_291 = arith.constant 16 : i32
        %mul3A_292 = arith.muli %add3A_290, %mul3A_291 : i32
        %get3A_293 = arith.constant 0 : i32
        %get3A_294 = arith.index_cast %get3A_293 : i32 to index
        %get3A_295 = arith.index_cast %mul3A_292 : i32 to index
        %get3A_296 = tpu.vector_load %arg5[%get3A_294, %get3A_295] {strides = array<i32>} : memref<2x5120xf32, #tpu.memory_space<vmem>>, vector<16xf32>,
        %get3A_297 = arith.constant 1 : i32
        %get3A_298 = arith.index_cast %get3A_297 : i32 to index
        %get3A_299 = arith.index_cast %mul3A_292 : i32 to index
        %get3A_300 = tpu.vector_load %arg5[%get3A_298, %get3A_299] {strides = array<i32>} : memref<2x5120xf32, #tpu.memory_space<vmem>>, vector<16xf32>,
        %get3A_301 = arith.constant 0 : i32
        %get3A_302 = arith.index_cast %get3A_301 : i32 to index
        %get3A_303 = arith.index_cast %mul3A_292 : i32 to index
        %get3A_304 = tpu.vector_load %arg7[%get3A_302, %get3A_303] {strides = array<i32>} : memref<2x5120xf32, #tpu.memory_space<vmem>>, vector<16xf32>,
        %get3A_305 = arith.constant 1 : i32
        %get3A_306 = arith.index_cast %get3A_305 : i32 to index
        %get3A_307 = arith.index_cast %mul3A_292 : i32 to index
        %get3A_308 = tpu.vector_load %arg7[%get3A_306, %get3A_307] {strides = array<i32>} : memref<2x5120xf32, #tpu.memory_space<vmem>>, vector<16xf32>,
        %mul3A_309 = arith.mulf %get3A_296, %get3A_304 : vector<16xf32>
        %add3A_310 = arith.addf %add3A_250, %mul3A_309 : vector<16xf32>
        %mul3A_311 = arith.mulf %get3A_296, %get3A_308 : vector<16xf32>
        %add3A_312 = arith.addf %add3A_252, %mul3A_311 : vector<16xf32>
        %mul3A_313 = arith.mulf %get3A_300, %get3A_304 : vector<16xf32>
        %add3A_314 = arith.addf %add3A_254, %mul3A_313 : vector<16xf32>
        %mul3A_315 = arith.mulf %get3A_300, %get3A_308 : vector<16xf32>
        %add3A_316 = arith.addf %add3A_256, %mul3A_315 : vector<16xf32>
        %mul3A_317 = arith.constant 8 : i32
        %mul3A_318 = arith.muli %scan3A_129, %mul3A_317 : i32
        %add3A_319 = arith.constant 6 : i32
        %add3A_320 = arith.addi %mul3A_318, %add3A_319 : i32
        %mul3A_321 = arith.constant 16 : i32
        %mul3A_322 = arith.muli %add3A_320, %mul3A_321 : i32
        %get3A_323 = arith.constant 0 : i32
        %get3A_324 = arith.index_cast %get3A_323 : i32 to index
        %get3A_325 = arith.index_cast %mul3A_322 : i32 to index
        %get3A_326 = tpu.vector_load %arg5[%get3A_324, %get3A_325] {strides = array<i32>} : memref<2x5120xf32, #tpu.memory_space<vmem>>, vector<16xf32>,
        %get3A_327 = arith.constant 1 : i32
        %get3A_328 = arith.index_cast %get3A_327 : i32 to index
        %get3A_329 = arith.index_cast %mul3A_322 : i32 to index
        %get3A_330 = tpu.vector_load %arg5[%get3A_328, %get3A_329] {strides = array<i32>} : memref<2x5120xf32, #tpu.memory_space<vmem>>, vector<16xf32>,
        %get3A_331 = arith.constant 0 : i32
        %get3A_332 = arith.index_cast %get3A_331 : i32 to index
        %get3A_333 = arith.index_cast %mul3A_322 : i32 to index
        %get3A_334 = tpu.vector_load %arg7[%get3A_332, %get3A_333] {strides = array<i32>} : memref<2x5120xf32, #tpu.memory_space<vmem>>, vector<16xf32>,
        %get3A_335 = arith.constant 1 : i32
        %get3A_336 = arith.index_cast %get3A_335 : i32 to index
        %get3A_337 = arith.index_cast %mul3A_322 : i32 to index
        %get3A_338 = tpu.vector_load %arg7[%get3A_336, %get3A_337] {strides = array<i32>} : memref<2x5120xf32, #tpu.memory_space<vmem>>, vector<16xf32>,
        %mul3A_339 = arith.mulf %get3A_326, %get3A_334 : vector<16xf32>
        %add3A_340 = arith.addf %add3A_280, %mul3A_339 : vector<16xf32>
        %mul3A_341 = arith.mulf %get3A_326, %get3A_338 : vector<16xf32>
        %add3A_342 = arith.addf %add3A_282, %mul3A_341 : vector<16xf32>
        %mul3A_343 = arith.mulf %get3A_330, %get3A_334 : vector<16xf32>
        %add3A_344 = arith.addf %add3A_284, %mul3A_343 : vector<16xf32>
        %mul3A_345 = arith.mulf %get3A_330, %get3A_338 : vector<16xf32>
        %add3A_346 = arith.addf %add3A_286, %mul3A_345 : vector<16xf32>
        %mul3A_347 = arith.constant 8 : i32
        %mul3A_348 = arith.muli %scan3A_129, %mul3A_347 : i32
        %add3A_349 = arith.constant 7 : i32
        %add3A_350 = arith.addi %mul3A_348, %add3A_349 : i32
        %mul3A_351 = arith.constant 16 : i32
        %mul3A_352 = arith.muli %add3A_350, %mul3A_351 : i32
        %get3A_353 = arith.constant 0 : i32
        %get3A_354 = arith.index_cast %get3A_353 : i32 to index
        %get3A_355 = arith.index_cast %mul3A_352 : i32 to index
        %get3A_356 = tpu.vector_load %arg5[%get3A_354, %get3A_355] {strides = array<i32>} : memref<2x5120xf32, #tpu.memory_space<vmem>>, vector<16xf32>,
        %get3A_357 = arith.constant 1 : i32
        %get3A_358 = arith.index_cast %get3A_357 : i32 to index
        %get3A_359 = arith.index_cast %mul3A_352 : i32 to index
        %get3A_360 = tpu.vector_load %arg5[%get3A_358, %get3A_359] {strides = array<i32>} : memref<2x5120xf32, #tpu.memory_space<vmem>>, vector<16xf32>,
        %get3A_361 = arith.constant 0 : i32
        %get3A_362 = arith.index_cast %get3A_361 : i32 to index
        %get3A_363 = arith.index_cast %mul3A_352 : i32 to index
        %get3A_364 = tpu.vector_load %arg7[%get3A_362, %get3A_363] {strides = array<i32>} : memref<2x5120xf32, #tpu.memory_space<vmem>>, vector<16xf32>,
        %get3A_365 = arith.constant 1 : i32
        %get3A_366 = arith.index_cast %get3A_365 : i32 to index
        %get3A_367 = arith.index_cast %mul3A_352 : i32 to index
        %get3A_368 = tpu.vector_load %arg7[%get3A_366, %get3A_367] {strides = array<i32>} : memref<2x5120xf32, #tpu.memory_space<vmem>>, vector<16xf32>,
        %mul3A_369 = arith.mulf %get3A_356, %get3A_364 : vector<16xf32>
        %add3A_370 = arith.addf %add3A_310, %mul3A_369 : vector<16xf32>
        %mul3A_371 = arith.mulf %get3A_356, %get3A_368 : vector<16xf32>
        %add3A_372 = arith.addf %add3A_312, %mul3A_371 : vector<16xf32>
        %mul3A_373 = arith.mulf %get3A_360, %get3A_364 : vector<16xf32>
        %add3A_374 = arith.addf %add3A_314, %mul3A_373 : vector<16xf32>
        %mul3A_375 = arith.mulf %get3A_360, %get3A_368 : vector<16xf32>
        %add3A_376 = arith.addf %add3A_316, %mul3A_375 : vector<16xf32>
        scf.yield %add3A_340, %add3A_342, %add3A_344, %add3A_346, %add3A_370, %add3A_372, %add3A_374, %add3A_376 : vector<16xf32>, vector<16xf32>, vector<16xf32>, vector<16xf32>, vector<16xf32>, vector<16xf32>, vector<16xf32>, vector<16xf32>
      }
      %scan3A_117 = arith.constant 40 : i32
      %add3A_118 = arith.constant 1 : i32
      %add3A_119 = arith.addi %add3A_100, %add3A_118 : i32
      %lt3A_120 = arith.cmpi slt, %add3A_119, %select_n3A : i32
      %convert_element_type3A_121 = arith.extui %lt3A_120 : i1 to i32
      %cond3A_122 = arith.constant 0 : i32
      %cond3A_123 = arith.cmpi ne, %convert_element_type3A_121, %cond3A_122 : i32
      scf.if %cond3A_123 {
        %add3A_129 = arith.constant 1 : i32
        %add3A_130 = arith.addi %add3A_100, %add3A_129 : i32
        %mul3A_131 = arith.constant 32 : i32
        %mul3A_132 = arith.muli %add3A_130, %mul3A_131 : i32
        %add3A_133 = arith.addi %add3A, %mul3A_132 : i32
        %mul3A_134 = arith.constant 5120 : i32
        %mul3A_135 = arith.muli %add3A_133, %mul3A_134 : i32
        %add3A_136 = arith.constant 2293760 : i32
        %add3A_137 = arith.addi %add3A_136, %mul3A_135 : i32
        %dma_start3A_138 = arith.constant 0 : i32
        %dma_start3A_139 = tpu.memref_slice %arg2[%dma_start3A_138, %add3A_137] : memref<2x6400000xf32, #tpu.memory_space<hbm>> -> memref<2x5120xf32, #tpu.memory_space<hbm>>
        %dma_start3A_140 = arith.constant 0 : i32
        %dma_start3A_141 = tpu.memref_slice %arg2[%dma_start3A_140, %add3A_137] : memref<2x6400000xf32, #tpu.memory_space<hbm>> -> memref<2x5120xf32, #tpu.memory_space<hbm>>
        tpu.enqueue_dma source(%dma_start3A_141 : memref<2x5120xf32, #tpu.memory_space<hbm>>) target(%arg5 : memref<2x5120xf32, #tpu.memory_space<vmem>>) target_semaphore(%arg10 : memref<!tpu.dma_semaphore, #tpu.memory_space<semaphore_mem>>)
        %dma_start3A_142 = arith.constant 0 : i32
        %dma_start3A_143 = tpu.memref_slice %arg3[%dma_start3A_142, %add3A_137] : memref<2x6400000xf32, #tpu.memory_space<hbm>> -> memref<2x5120xf32, #tpu.memory_space<hbm>>
        %dma_start3A_144 = arith.constant 0 : i32
        %dma_start3A_145 = tpu.memref_slice %arg3[%dma_start3A_144, %add3A_137] : memref<2x6400000xf32, #tpu.memory_space<hbm>> -> memref<2x5120xf32, #tpu.memory_space<hbm>>
        tpu.enqueue_dma source(%dma_start3A_145 : memref<2x5120xf32, #tpu.memory_space<hbm>>) target(%arg7 : memref<2x5120xf32, #tpu.memory_space<vmem>>) target_semaphore(%arg10 : memref<!tpu.dma_semaphore, #tpu.memory_space<semaphore_mem>>)
      } else {
      }
      %lt3A_124 = arith.cmpi slt, %add3A_100, %select_n3A : i32
      %convert_element_type3A_125 = arith.extui %lt3A_124 : i1 to i32
      %cond3A_126 = arith.constant 0 : i32
      %cond3A_127 = arith.cmpi ne, %convert_element_type3A_125, %cond3A_126 : i32
      %cond3A_128:8 = scf.if %cond3A_127 -> (vector<16xf32>, vector<16xf32>, vector<16xf32>, vector<16xf32>, vector<16xf32>, vector<16xf32>, vector<16xf32>, vector<16xf32>) {
        %dma_wait3A_129 = arith.constant 0 : i32
        %dma_wait3A_130 = arith.constant 0 : i32
        %dma_wait3A_131 = tpu.memref_slice %arg2[%dma_wait3A_129, %dma_wait3A_130] : memref<2x6400000xf32, #tpu.memory_space<hbm>> -> memref<2x5120xf32, #tpu.memory_space<hbm>>
        %dma_wait3A_132 = arith.constant 0 : i32
        %dma_wait3A_133 = arith.constant 0 : i32
        %dma_wait3A_134 = tpu.memref_slice %arg2[%dma_wait3A_132, %dma_wait3A_133] : memref<2x6400000xf32, #tpu.memory_space<hbm>> -> memref<2x5120xf32, #tpu.memory_space<hbm>>
        tpu.wait_dma2 semaphore(%arg11 : memref<!tpu.dma_semaphore, #tpu.memory_space<semaphore_mem>>) src(%dma_wait3A_134 : memref<2x5120xf32, #tpu.memory_space<hbm>>) dst(%arg6 : memref<2x5120xf32, #tpu.memory_space<vmem>>)
        %dma_wait3A_135 = arith.constant 0 : i32
        %dma_wait3A_136 = arith.constant 0 : i32
        %dma_wait3A_137 = tpu.memref_slice %arg3[%dma_wait3A_135, %dma_wait3A_136] : memref<2x6400000xf32, #tpu.memory_space<hbm>> -> memref<2x5120xf32, #tpu.memory_space<hbm>>
        %dma_wait3A_138 = arith.constant 0 : i32
        %dma_wait3A_139 = arith.constant 0 : i32
        %dma_wait3A_140 = tpu.memref_slice %arg3[%dma_wait3A_138, %dma_wait3A_139] : memref<2x6400000xf32, #tpu.memory_space<hbm>> -> memref<2x5120xf32, #tpu.memory_space<hbm>>
        tpu.wait_dma2 semaphore(%arg11 : memref<!tpu.dma_semaphore, #tpu.memory_space<semaphore_mem>>) src(%dma_wait3A_140 : memref<2x5120xf32, #tpu.memory_space<hbm>>) dst(%arg8 : memref<2x5120xf32, #tpu.memory_space<vmem>>)
        %scan3A_141 = arith.constant 0 : i32
        %scan3A_142 = arith.constant 40 : i32
        %scan3A_143 = arith.addi %scan3A_141, %scan3A_142 : i32
        %scan3A_144 = arith.constant 1 : i32
        %scan3A_145:8 = scf.for %scan3A_147 = %scan3A_141 to %scan3A_143 step %scan3A_144 iter_args(%scan3A_148 = %scan3A_116#0, %scan3A_149 = %scan3A_116#1, %scan3A_150 = %scan3A_116#2, %scan3A_151 = %scan3A_116#3, %scan3A_152 = %scan3A_116#4, %scan3A_153 = %scan3A_116#5, %scan3A_154 = %scan3A_116#6, %scan3A_155 = %scan3A_116#7) -> (vector<16xf32>, vector<16xf32>, vector<16xf32>, vector<16xf32>, vector<16xf32>, vector<16xf32>, vector<16xf32>, vector<16xf32>)  : i32 {
          %mul3A_156 = arith.constant 8 : i32
          %mul3A_157 = arith.muli %scan3A_147, %mul3A_156 : i32
          %add3A_158 = arith.constant 0 : i32
          %add3A_159 = arith.addi %mul3A_157, %add3A_158 : i32
          %mul3A_160 = arith.constant 16 : i32
          %mul3A_161 = arith.muli %add3A_159, %mul3A_160 : i32
          %get3A = arith.constant 0 : i32
          %get3A_162 = arith.index_cast %get3A : i32 to index
          %get3A_163 = arith.index_cast %mul3A_161 : i32 to index
          %get3A_164 = tpu.vector_load %arg6[%get3A_162, %get3A_163] {strides = array<i32>} : memref<2x5120xf32, #tpu.memory_space<vmem>>, vector<16xf32>,
          %get3A_165 = arith.constant 1 : i32
          %get3A_166 = arith.index_cast %get3A_165 : i32 to index
          %get3A_167 = arith.index_cast %mul3A_161 : i32 to index
          %get3A_168 = tpu.vector_load %arg6[%get3A_166, %get3A_167] {strides = array<i32>} : memref<2x5120xf32, #tpu.memory_space<vmem>>, vector<16xf32>,
          %get3A_169 = arith.constant 0 : i32
          %get3A_170 = arith.index_cast %get3A_169 : i32 to index
          %get3A_171 = arith.index_cast %mul3A_161 : i32 to index
          %get3A_172 = tpu.vector_load %arg8[%get3A_170, %get3A_171] {strides = array<i32>} : memref<2x5120xf32, #tpu.memory_space<vmem>>, vector<16xf32>,
          %get3A_173 = arith.constant 1 : i32
          %get3A_174 = arith.index_cast %get3A_173 : i32 to index
          %get3A_175 = arith.index_cast %mul3A_161 : i32 to index
          %get3A_176 = tpu.vector_load %arg8[%get3A_174, %get3A_175] {strides = array<i32>} : memref<2x5120xf32, #tpu.memory_space<vmem>>, vector<16xf32>,
          %mul3A_177 = arith.mulf %get3A_164, %get3A_172 : vector<16xf32>
          %add3A_178 = arith.addf %scan3A_148, %mul3A_177 : vector<16xf32>
          %mul3A_179 = arith.mulf %get3A_164, %get3A_176 : vector<16xf32>
          %add3A_180 = arith.addf %scan3A_149, %mul3A_179 : vector<16xf32>
          %mul3A_181 = arith.mulf %get3A_168, %get3A_172 : vector<16xf32>
          %add3A_182 = arith.addf %scan3A_150, %mul3A_181 : vector<16xf32>
          %mul3A_183 = arith.mulf %get3A_168, %get3A_176 : vector<16xf32>
          %add3A_184 = arith.addf %scan3A_151, %mul3A_183 : vector<16xf32>
          %mul3A_185 = arith.constant 8 : i32
          %mul3A_186 = arith.muli %scan3A_147, %mul3A_185 : i32
          %add3A_187 = arith.constant 1 : i32
          %add3A_188 = arith.addi %mul3A_186, %add3A_187 : i32
          %mul3A_189 = arith.constant 16 : i32
          %mul3A_190 = arith.muli %add3A_188, %mul3A_189 : i32
          %get3A_191 = arith.constant 0 : i32
          %get3A_192 = arith.index_cast %get3A_191 : i32 to index
          %get3A_193 = arith.index_cast %mul3A_190 : i32 to index
          %get3A_194 = tpu.vector_load %arg6[%get3A_192, %get3A_193] {strides = array<i32>} : memref<2x5120xf32, #tpu.memory_space<vmem>>, vector<16xf32>,
          %get3A_195 = arith.constant 1 : i32
          %get3A_196 = arith.index_cast %get3A_195 : i32 to index
          %get3A_197 = arith.index_cast %mul3A_190 : i32 to index
          %get3A_198 = tpu.vector_load %arg6[%get3A_196, %get3A_197] {strides = array<i32>} : memref<2x5120xf32, #tpu.memory_space<vmem>>, vector<16xf32>,
          %get3A_199 = arith.constant 0 : i32
          %get3A_200 = arith.index_cast %get3A_199 : i32 to index
          %get3A_201 = arith.index_cast %mul3A_190 : i32 to index
          %get3A_202 = tpu.vector_load %arg8[%get3A_200, %get3A_201] {strides = array<i32>} : memref<2x5120xf32, #tpu.memory_space<vmem>>, vector<16xf32>,
          %get3A_203 = arith.constant 1 : i32
          %get3A_204 = arith.index_cast %get3A_203 : i32 to index
          %get3A_205 = arith.index_cast %mul3A_190 : i32 to index
          %get3A_206 = tpu.vector_load %arg8[%get3A_204, %get3A_205] {strides = array<i32>} : memref<2x5120xf32, #tpu.memory_space<vmem>>, vector<16xf32>,
          %mul3A_207 = arith.mulf %get3A_194, %get3A_202 : vector<16xf32>
          %add3A_208 = arith.addf %scan3A_152, %mul3A_207 : vector<16xf32>
          %mul3A_209 = arith.mulf %get3A_194, %get3A_206 : vector<16xf32>
          %add3A_210 = arith.addf %scan3A_153, %mul3A_209 : vector<16xf32>
          %mul3A_211 = arith.mulf %get3A_198, %get3A_202 : vector<16xf32>
          %add3A_212 = arith.addf %scan3A_154, %mul3A_211 : vector<16xf32>
          %mul3A_213 = arith.mulf %get3A_198, %get3A_206 : vector<16xf32>
          %add3A_214 = arith.addf %scan3A_155, %mul3A_213 : vector<16xf32>
          %mul3A_215 = arith.constant 8 : i32
          %mul3A_216 = arith.muli %scan3A_147, %mul3A_215 : i32
          %add3A_217 = arith.constant 2 : i32
          %add3A_218 = arith.addi %mul3A_216, %add3A_217 : i32
          %mul3A_219 = arith.constant 16 : i32
          %mul3A_220 = arith.muli %add3A_218, %mul3A_219 : i32
          %get3A_221 = arith.constant 0 : i32
          %get3A_222 = arith.index_cast %get3A_221 : i32 to index
          %get3A_223 = arith.index_cast %mul3A_220 : i32 to index
          %get3A_224 = tpu.vector_load %arg6[%get3A_222, %get3A_223] {strides = array<i32>} : memref<2x5120xf32, #tpu.memory_space<vmem>>, vector<16xf32>,
          %get3A_225 = arith.constant 1 : i32
          %get3A_226 = arith.index_cast %get3A_225 : i32 to index
          %get3A_227 = arith.index_cast %mul3A_220 : i32 to index
          %get3A_228 = tpu.vector_load %arg6[%get3A_226, %get3A_227] {strides = array<i32>} : memref<2x5120xf32, #tpu.memory_space<vmem>>, vector<16xf32>,
          %get3A_229 = arith.constant 0 : i32
          %get3A_230 = arith.index_cast %get3A_229 : i32 to index
          %get3A_231 = arith.index_cast %mul3A_220 : i32 to index
          %get3A_232 = tpu.vector_load %arg8[%get3A_230, %get3A_231] {strides = array<i32>} : memref<2x5120xf32, #tpu.memory_space<vmem>>, vector<16xf32>,
          %get3A_233 = arith.constant 1 : i32
          %get3A_234 = arith.index_cast %get3A_233 : i32 to index
          %get3A_235 = arith.index_cast %mul3A_220 : i32 to index
          %get3A_236 = tpu.vector_load %arg8[%get3A_234, %get3A_235] {strides = array<i32>} : memref<2x5120xf32, #tpu.memory_space<vmem>>, vector<16xf32>,
          %mul3A_237 = arith.mulf %get3A_224, %get3A_232 : vector<16xf32>
          %add3A_238 = arith.addf %add3A_178, %mul3A_237 : vector<16xf32>
          %mul3A_239 = arith.mulf %get3A_224, %get3A_236 : vector<16xf32>
          %add3A_240 = arith.addf %add3A_180, %mul3A_239 : vector<16xf32>
          %mul3A_241 = arith.mulf %get3A_228, %get3A_232 : vector<16xf32>
          %add3A_242 = arith.addf %add3A_182, %mul3A_241 : vector<16xf32>
          %mul3A_243 = arith.mulf %get3A_228, %get3A_236 : vector<16xf32>
          %add3A_244 = arith.addf %add3A_184, %mul3A_243 : vector<16xf32>
          %mul3A_245 = arith.constant 8 : i32
          %mul3A_246 = arith.muli %scan3A_147, %mul3A_245 : i32
          %add3A_247 = arith.constant 3 : i32
          %add3A_248 = arith.addi %mul3A_246, %add3A_247 : i32
          %mul3A_249 = arith.constant 16 : i32
          %mul3A_250 = arith.muli %add3A_248, %mul3A_249 : i32
          %get3A_251 = arith.constant 0 : i32
          %get3A_252 = arith.index_cast %get3A_251 : i32 to index
          %get3A_253 = arith.index_cast %mul3A_250 : i32 to index
          %get3A_254 = tpu.vector_load %arg6[%get3A_252, %get3A_253] {strides = array<i32>} : memref<2x5120xf32, #tpu.memory_space<vmem>>, vector<16xf32>,
          %get3A_255 = arith.constant 1 : i32
          %get3A_256 = arith.index_cast %get3A_255 : i32 to index
          %get3A_257 = arith.index_cast %mul3A_250 : i32 to index
          %get3A_258 = tpu.vector_load %arg6[%get3A_256, %get3A_257] {strides = array<i32>} : memref<2x5120xf32, #tpu.memory_space<vmem>>, vector<16xf32>,
          %get3A_259 = arith.constant 0 : i32
          %get3A_260 = arith.index_cast %get3A_259 : i32 to index
          %get3A_261 = arith.index_cast %mul3A_250 : i32 to index
          %get3A_262 = tpu.vector_load %arg8[%get3A_260, %get3A_261] {strides = array<i32>} : memref<2x5120xf32, #tpu.memory_space<vmem>>, vector<16xf32>,
          %get3A_263 = arith.constant 1 : i32
          %get3A_264 = arith.index_cast %get3A_263 : i32 to index
          %get3A_265 = arith.index_cast %mul3A_250 : i32 to index
          %get3A_266 = tpu.vector_load %arg8[%get3A_264, %get3A_265] {strides = array<i32>} : memref<2x5120xf32, #tpu.memory_space<vmem>>, vector<16xf32>,
          %mul3A_267 = arith.mulf %get3A_254, %get3A_262 : vector<16xf32>
          %add3A_268 = arith.addf %add3A_208, %mul3A_267 : vector<16xf32>
          %mul3A_269 = arith.mulf %get3A_254, %get3A_266 : vector<16xf32>
          %add3A_270 = arith.addf %add3A_210, %mul3A_269 : vector<16xf32>
          %mul3A_271 = arith.mulf %get3A_258, %get3A_262 : vector<16xf32>
          %add3A_272 = arith.addf %add3A_212, %mul3A_271 : vector<16xf32>
          %mul3A_273 = arith.mulf %get3A_258, %get3A_266 : vector<16xf32>
          %add3A_274 = arith.addf %add3A_214, %mul3A_273 : vector<16xf32>
          %mul3A_275 = arith.constant 8 : i32
          %mul3A_276 = arith.muli %scan3A_147, %mul3A_275 : i32
          %add3A_277 = arith.constant 4 : i32
          %add3A_278 = arith.addi %mul3A_276, %add3A_277 : i32
          %mul3A_279 = arith.constant 16 : i32
          %mul3A_280 = arith.muli %add3A_278, %mul3A_279 : i32
          %get3A_281 = arith.constant 0 : i32
          %get3A_282 = arith.index_cast %get3A_281 : i32 to index
          %get3A_283 = arith.index_cast %mul3A_280 : i32 to index
          %get3A_284 = tpu.vector_load %arg6[%get3A_282, %get3A_283] {strides = array<i32>} : memref<2x5120xf32, #tpu.memory_space<vmem>>, vector<16xf32>,
          %get3A_285 = arith.constant 1 : i32
          %get3A_286 = arith.index_cast %get3A_285 : i32 to index
          %get3A_287 = arith.index_cast %mul3A_280 : i32 to index
          %get3A_288 = tpu.vector_load %arg6[%get3A_286, %get3A_287] {strides = array<i32>} : memref<2x5120xf32, #tpu.memory_space<vmem>>, vector<16xf32>,
          %get3A_289 = arith.constant 0 : i32
          %get3A_290 = arith.index_cast %get3A_289 : i32 to index
          %get3A_291 = arith.index_cast %mul3A_280 : i32 to index
          %get3A_292 = tpu.vector_load %arg8[%get3A_290, %get3A_291] {strides = array<i32>} : memref<2x5120xf32, #tpu.memory_space<vmem>>, vector<16xf32>,
          %get3A_293 = arith.constant 1 : i32
          %get3A_294 = arith.index_cast %get3A_293 : i32 to index
          %get3A_295 = arith.index_cast %mul3A_280 : i32 to index
          %get3A_296 = tpu.vector_load %arg8[%get3A_294, %get3A_295] {strides = array<i32>} : memref<2x5120xf32, #tpu.memory_space<vmem>>, vector<16xf32>,
          %mul3A_297 = arith.mulf %get3A_284, %get3A_292 : vector<16xf32>
          %add3A_298 = arith.addf %add3A_238, %mul3A_297 : vector<16xf32>
          %mul3A_299 = arith.mulf %get3A_284, %get3A_296 : vector<16xf32>
          %add3A_300 = arith.addf %add3A_240, %mul3A_299 : vector<16xf32>
          %mul3A_301 = arith.mulf %get3A_288, %get3A_292 : vector<16xf32>
          %add3A_302 = arith.addf %add3A_242, %mul3A_301 : vector<16xf32>
          %mul3A_303 = arith.mulf %get3A_288, %get3A_296 : vector<16xf32>
          %add3A_304 = arith.addf %add3A_244, %mul3A_303 : vector<16xf32>
          %mul3A_305 = arith.constant 8 : i32
          %mul3A_306 = arith.muli %scan3A_147, %mul3A_305 : i32
          %add3A_307 = arith.constant 5 : i32
          %add3A_308 = arith.addi %mul3A_306, %add3A_307 : i32
          %mul3A_309 = arith.constant 16 : i32
          %mul3A_310 = arith.muli %add3A_308, %mul3A_309 : i32
          %get3A_311 = arith.constant 0 : i32
          %get3A_312 = arith.index_cast %get3A_311 : i32 to index
          %get3A_313 = arith.index_cast %mul3A_310 : i32 to index
          %get3A_314 = tpu.vector_load %arg6[%get3A_312, %get3A_313] {strides = array<i32>} : memref<2x5120xf32, #tpu.memory_space<vmem>>, vector<16xf32>,
          %get3A_315 = arith.constant 1 : i32
          %get3A_316 = arith.index_cast %get3A_315 : i32 to index
          %get3A_317 = arith.index_cast %mul3A_310 : i32 to index
          %get3A_318 = tpu.vector_load %arg6[%get3A_316, %get3A_317] {strides = array<i32>} : memref<2x5120xf32, #tpu.memory_space<vmem>>, vector<16xf32>,
          %get3A_319 = arith.constant 0 : i32
          %get3A_320 = arith.index_cast %get3A_319 : i32 to index
          %get3A_321 = arith.index_cast %mul3A_310 : i32 to index
          %get3A_322 = tpu.vector_load %arg8[%get3A_320, %get3A_321] {strides = array<i32>} : memref<2x5120xf32, #tpu.memory_space<vmem>>, vector<16xf32>,
          %get3A_323 = arith.constant 1 : i32
          %get3A_324 = arith.index_cast %get3A_323 : i32 to index
          %get3A_325 = arith.index_cast %mul3A_310 : i32 to index
          %get3A_326 = tpu.vector_load %arg8[%get3A_324, %get3A_325] {strides = array<i32>} : memref<2x5120xf32, #tpu.memory_space<vmem>>, vector<16xf32>,
          %mul3A_327 = arith.mulf %get3A_314, %get3A_322 : vector<16xf32>
          %add3A_328 = arith.addf %add3A_268, %mul3A_327 : vector<16xf32>
          %mul3A_329 = arith.mulf %get3A_314, %get3A_326 : vector<16xf32>
          %add3A_330 = arith.addf %add3A_270, %mul3A_329 : vector<16xf32>
          %mul3A_331 = arith.mulf %get3A_318, %get3A_322 : vector<16xf32>
          %add3A_332 = arith.addf %add3A_272, %mul3A_331 : vector<16xf32>
          %mul3A_333 = arith.mulf %get3A_318, %get3A_326 : vector<16xf32>
          %add3A_334 = arith.addf %add3A_274, %mul3A_333 : vector<16xf32>
          %mul3A_335 = arith.constant 8 : i32
          %mul3A_336 = arith.muli %scan3A_147, %mul3A_335 : i32
          %add3A_337 = arith.constant 6 : i32
          %add3A_338 = arith.addi %mul3A_336, %add3A_337 : i32
          %mul3A_339 = arith.constant 16 : i32
          %mul3A_340 = arith.muli %add3A_338, %mul3A_339 : i32
          %get3A_341 = arith.constant 0 : i32
          %get3A_342 = arith.index_cast %get3A_341 : i32 to index
          %get3A_343 = arith.index_cast %mul3A_340 : i32 to index
          %get3A_344 = tpu.vector_load %arg6[%get3A_342, %get3A_343] {strides = array<i32>} : memref<2x5120xf32, #tpu.memory_space<vmem>>, vector<16xf32>,
          %get3A_345 = arith.constant 1 : i32
          %get3A_346 = arith.index_cast %get3A_345 : i32 to index
          %get3A_347 = arith.index_cast %mul3A_340 : i32 to index
          %get3A_348 = tpu.vector_load %arg6[%get3A_346, %get3A_347] {strides = array<i32>} : memref<2x5120xf32, #tpu.memory_space<vmem>>, vector<16xf32>,
          %get3A_349 = arith.constant 0 : i32
          %get3A_350 = arith.index_cast %get3A_349 : i32 to index
          %get3A_351 = arith.index_cast %mul3A_340 : i32 to index
          %get3A_352 = tpu.vector_load %arg8[%get3A_350, %get3A_351] {strides = array<i32>} : memref<2x5120xf32, #tpu.memory_space<vmem>>, vector<16xf32>,
          %get3A_353 = arith.constant 1 : i32
          %get3A_354 = arith.index_cast %get3A_353 : i32 to index
          %get3A_355 = arith.index_cast %mul3A_340 : i32 to index
          %get3A_356 = tpu.vector_load %arg8[%get3A_354, %get3A_355] {strides = array<i32>} : memref<2x5120xf32, #tpu.memory_space<vmem>>, vector<16xf32>,
          %mul3A_357 = arith.mulf %get3A_344, %get3A_352 : vector<16xf32>
          %add3A_358 = arith.addf %add3A_298, %mul3A_357 : vector<16xf32>
          %mul3A_359 = arith.mulf %get3A_344, %get3A_356 : vector<16xf32>
          %add3A_360 = arith.addf %add3A_300, %mul3A_359 : vector<16xf32>
          %mul3A_361 = arith.mulf %get3A_348, %get3A_352 : vector<16xf32>
          %add3A_362 = arith.addf %add3A_302, %mul3A_361 : vector<16xf32>
          %mul3A_363 = arith.mulf %get3A_348, %get3A_356 : vector<16xf32>
          %add3A_364 = arith.addf %add3A_304, %mul3A_363 : vector<16xf32>
          %mul3A_365 = arith.constant 8 : i32
          %mul3A_366 = arith.muli %scan3A_147, %mul3A_365 : i32
          %add3A_367 = arith.constant 7 : i32
          %add3A_368 = arith.addi %mul3A_366, %add3A_367 : i32
          %mul3A_369 = arith.constant 16 : i32
          %mul3A_370 = arith.muli %add3A_368, %mul3A_369 : i32
          %get3A_371 = arith.constant 0 : i32
          %get3A_372 = arith.index_cast %get3A_371 : i32 to index
          %get3A_373 = arith.index_cast %mul3A_370 : i32 to index
          %get3A_374 = tpu.vector_load %arg6[%get3A_372, %get3A_373] {strides = array<i32>} : memref<2x5120xf32, #tpu.memory_space<vmem>>, vector<16xf32>,
          %get3A_375 = arith.constant 1 : i32
          %get3A_376 = arith.index_cast %get3A_375 : i32 to index
          %get3A_377 = arith.index_cast %mul3A_370 : i32 to index
          %get3A_378 = tpu.vector_load %arg6[%get3A_376, %get3A_377] {strides = array<i32>} : memref<2x5120xf32, #tpu.memory_space<vmem>>, vector<16xf32>,
          %get3A_379 = arith.constant 0 : i32
          %get3A_380 = arith.index_cast %get3A_379 : i32 to index
          %get3A_381 = arith.index_cast %mul3A_370 : i32 to index
          %get3A_382 = tpu.vector_load %arg8[%get3A_380, %get3A_381] {strides = array<i32>} : memref<2x5120xf32, #tpu.memory_space<vmem>>, vector<16xf32>,
          %get3A_383 = arith.constant 1 : i32
          %get3A_384 = arith.index_cast %get3A_383 : i32 to index
          %get3A_385 = arith.index_cast %mul3A_370 : i32 to index
          %get3A_386 = tpu.vector_load %arg8[%get3A_384, %get3A_385] {strides = array<i32>} : memref<2x5120xf32, #tpu.memory_space<vmem>>, vector<16xf32>,
          %mul3A_387 = arith.mulf %get3A_374, %get3A_382 : vector<16xf32>
          %add3A_388 = arith.addf %add3A_328, %mul3A_387 : vector<16xf32>
          %mul3A_389 = arith.mulf %get3A_374, %get3A_386 : vector<16xf32>
          %add3A_390 = arith.addf %add3A_330, %mul3A_389 : vector<16xf32>
          %mul3A_391 = arith.mulf %get3A_378, %get3A_382 : vector<16xf32>
          %add3A_392 = arith.addf %add3A_332, %mul3A_391 : vector<16xf32>
          %mul3A_393 = arith.mulf %get3A_378, %get3A_386 : vector<16xf32>
          %add3A_394 = arith.addf %add3A_334, %mul3A_393 : vector<16xf32>
          scf.yield %add3A_358, %add3A_360, %add3A_362, %add3A_364, %add3A_388, %add3A_390, %add3A_392, %add3A_394 : vector<16xf32>, vector<16xf32>, vector<16xf32>, vector<16xf32>, vector<16xf32>, vector<16xf32>, vector<16xf32>, vector<16xf32>
        }
        %scan3A_146 = arith.constant 40 : i32
        scf.yield %scan3A_145#0, %scan3A_145#1, %scan3A_145#2, %scan3A_145#3, %scan3A_145#4, %scan3A_145#5, %scan3A_145#6, %scan3A_145#7 : vector<16xf32>, vector<16xf32>, vector<16xf32>, vector<16xf32>, vector<16xf32>, vector<16xf32>, vector<16xf32>, vector<16xf32>
      } else {
        scf.yield %scan3A_116#0, %scan3A_116#1, %scan3A_116#2, %scan3A_116#3, %scan3A_116#4, %scan3A_116#5, %scan3A_116#6, %scan3A_116#7 : vector<16xf32>, vector<16xf32>, vector<16xf32>, vector<16xf32>, vector<16xf32>, vector<16xf32>, vector<16xf32>, vector<16xf32>
      }
      scf.yield %cond3A_128#0, %cond3A_128#1, %cond3A_128#2, %cond3A_128#3, %cond3A_128#4, %cond3A_128#5, %cond3A_128#6, %cond3A_128#7 : vector<16xf32>, vector<16xf32>, vector<16xf32>, vector<16xf32>, vector<16xf32>, vector<16xf32>, vector<16xf32>, vector<16xf32>
    }
    %while3A_71 = arith.constant 1 : i32
    %while3A_72:8 = scf.for %while3A_88 = %while3A_68 to %while3A_64 step %while3A_71 iter_args(%while3A_89 = %while3A_70#0, %while3A_90 = %while3A_70#1, %while3A_91 = %while3A_70#2, %while3A_92 = %while3A_70#3, %while3A_93 = %while3A_70#4, %while3A_94 = %while3A_70#5, %while3A_95 = %while3A_70#6, %while3A_96 = %while3A_70#7) -> (vector<16xf32>, vector<16xf32>, vector<16xf32>, vector<16xf32>, vector<16xf32>, vector<16xf32>, vector<16xf32>, vector<16xf32>)  : i32 {
      %mul3A_97 = arith.constant 2 : i32
      %mul3A_98 = arith.muli %mul3A_97, %while3A_88 : i32
      %add3A_99 = arith.constant 1 : i32
      %add3A_100 = arith.addi %mul3A_98, %add3A_99 : i32
      %lt3A = arith.cmpi slt, %add3A_100, %select_n3A : i32
      %convert_element_type3A = arith.extui %lt3A : i1 to i32
      %cond3A = arith.constant 0 : i32
      %cond3A_101 = arith.cmpi ne, %convert_element_type3A, %cond3A : i32
      scf.if %cond3A_101 {
        %mul3A_129 = arith.constant 32 : i32
        %mul3A_130 = arith.muli %add3A_100, %mul3A_129 : i32
        %add3A_131 = arith.addi %add3A, %mul3A_130 : i32
        %mul3A_132 = arith.constant 5120 : i32
        %mul3A_133 = arith.muli %add3A_131, %mul3A_132 : i32
        %add3A_134 = arith.constant 2293760 : i32
        %add3A_135 = arith.addi %add3A_134, %mul3A_133 : i32
        %dma_start3A_136 = arith.constant 0 : i32
        %dma_start3A_137 = tpu.memref_slice %arg2[%dma_start3A_136, %add3A_135] : memref<2x6400000xf32, #tpu.memory_space<hbm>> -> memref<2x5120xf32, #tpu.memory_space<hbm>>
        %dma_start3A_138 = arith.constant 0 : i32
        %dma_start3A_139 = tpu.memref_slice %arg2[%dma_start3A_138, %add3A_135] : memref<2x6400000xf32, #tpu.memory_space<hbm>> -> memref<2x5120xf32, #tpu.memory_space<hbm>>
        tpu.enqueue_dma source(%dma_start3A_139 : memref<2x5120xf32, #tpu.memory_space<hbm>>) target(%arg6 : memref<2x5120xf32, #tpu.memory_space<vmem>>) target_semaphore(%arg11 : memref<!tpu.dma_semaphore, #tpu.memory_space<semaphore_mem>>)
        %dma_start3A_140 = arith.constant 0 : i32
        %dma_start3A_141 = tpu.memref_slice %arg3[%dma_start3A_140, %add3A_135] : memref<2x6400000xf32, #tpu.memory_space<hbm>> -> memref<2x5120xf32, #tpu.memory_space<hbm>>
        %dma_start3A_142 = arith.constant 0 : i32
        %dma_start3A_143 = tpu.memref_slice %arg3[%dma_start3A_142, %add3A_135] : memref<2x6400000xf32, #tpu.memory_space<hbm>> -> memref<2x5120xf32, #tpu.memory_space<hbm>>
        tpu.enqueue_dma source(%dma_start3A_143 : memref<2x5120xf32, #tpu.memory_space<hbm>>) target(%arg8 : memref<2x5120xf32, #tpu.memory_space<vmem>>) target_semaphore(%arg11 : memref<!tpu.dma_semaphore, #tpu.memory_space<semaphore_mem>>)
      } else {
      }
      %dma_wait3A = arith.constant 0 : i32
      %dma_wait3A_102 = arith.constant 0 : i32
      %dma_wait3A_103 = tpu.memref_slice %arg2[%dma_wait3A, %dma_wait3A_102] : memref<2x6400000xf32, #tpu.memory_space<hbm>> -> memref<2x5120xf32, #tpu.memory_space<hbm>>
      %dma_wait3A_104 = arith.constant 0 : i32
      %dma_wait3A_105 = arith.constant 0 : i32
      %dma_wait3A_106 = tpu.memref_slice %arg2[%dma_wait3A_104, %dma_wait3A_105] : memref<2x6400000xf32, #tpu.memory_space<hbm>> -> memref<2x5120xf32, #tpu.memory_space<hbm>>
      tpu.wait_dma2 semaphore(%arg10 : memref<!tpu.dma_semaphore, #tpu.memory_space<semaphore_mem>>) src(%dma_wait3A_106 : memref<2x5120xf32, #tpu.memory_space<hbm>>) dst(%arg5 : memref<2x5120xf32, #tpu.memory_space<vmem>>)
      %dma_wait3A_107 = arith.constant 0 : i32
      %dma_wait3A_108 = arith.constant 0 : i32
      %dma_wait3A_109 = tpu.memref_slice %arg3[%dma_wait3A_107, %dma_wait3A_108] : memref<2x6400000xf32, #tpu.memory_space<hbm>> -> memref<2x5120xf32, #tpu.memory_space<hbm>>
      %dma_wait3A_110 = arith.constant 0 : i32
      %dma_wait3A_111 = arith.constant 0 : i32
      %dma_wait3A_112 = tpu.memref_slice %arg3[%dma_wait3A_110, %dma_wait3A_111] : memref<2x6400000xf32, #tpu.memory_space<hbm>> -> memref<2x5120xf32, #tpu.memory_space<hbm>>
      tpu.wait_dma2 semaphore(%arg10 : memref<!tpu.dma_semaphore, #tpu.memory_space<semaphore_mem>>) src(%dma_wait3A_112 : memref<2x5120xf32, #tpu.memory_space<hbm>>) dst(%arg7 : memref<2x5120xf32, #tpu.memory_space<vmem>>)
      %scan3A = arith.constant 0 : i32
      %scan3A_113 = arith.constant 40 : i32
      %scan3A_114 = arith.addi %scan3A, %scan3A_113 : i32
      %scan3A_115 = arith.constant 1 : i32
      %scan3A_116:8 = scf.for %scan3A_129 = %scan3A to %scan3A_114 step %scan3A_115 iter_args(%scan3A_130 = %while3A_89, %scan3A_131 = %while3A_90, %scan3A_132 = %while3A_91, %scan3A_133 = %while3A_92, %scan3A_134 = %while3A_93, %scan3A_135 = %while3A_94, %scan3A_136 = %while3A_95, %scan3A_137 = %while3A_96) -> (vector<16xf32>, vector<16xf32>, vector<16xf32>, vector<16xf32>, vector<16xf32>, vector<16xf32>, vector<16xf32>, vector<16xf32>)  : i32 {
        %mul3A_138 = arith.constant 8 : i32
        %mul3A_139 = arith.muli %scan3A_129, %mul3A_138 : i32
        %add3A_140 = arith.constant 0 : i32
        %add3A_141 = arith.addi %mul3A_139, %add3A_140 : i32
        %mul3A_142 = arith.constant 16 : i32
        %mul3A_143 = arith.muli %add3A_141, %mul3A_142 : i32
        %get3A = arith.constant 0 : i32
        %get3A_144 = arith.index_cast %get3A : i32 to index
        %get3A_145 = arith.index_cast %mul3A_143 : i32 to index
        %get3A_146 = tpu.vector_load %arg5[%get3A_144, %get3A_145] {strides = array<i32>} : memref<2x5120xf32, #tpu.memory_space<vmem>>, vector<16xf32>,
        %get3A_147 = arith.constant 1 : i32
        %get3A_148 = arith.index_cast %get3A_147 : i32 to index
        %get3A_149 = arith.index_cast %mul3A_143 : i32 to index
        %get3A_150 = tpu.vector_load %arg5[%get3A_148, %get3A_149] {strides = array<i32>} : memref<2x5120xf32, #tpu.memory_space<vmem>>, vector<16xf32>,
        %get3A_151 = arith.constant 0 : i32
        %get3A_152 = arith.index_cast %get3A_151 : i32 to index
        %get3A_153 = arith.index_cast %mul3A_143 : i32 to index
        %get3A_154 = tpu.vector_load %arg7[%get3A_152, %get3A_153] {strides = array<i32>} : memref<2x5120xf32, #tpu.memory_space<vmem>>, vector<16xf32>,
        %get3A_155 = arith.constant 1 : i32
        %get3A_156 = arith.index_cast %get3A_155 : i32 to index
        %get3A_157 = arith.index_cast %mul3A_143 : i32 to index
        %get3A_158 = tpu.vector_load %arg7[%get3A_156, %get3A_157] {strides = array<i32>} : memref<2x5120xf32, #tpu.memory_space<vmem>>, vector<16xf32>,
        %mul3A_159 = arith.mulf %get3A_146, %get3A_154 : vector<16xf32>
        %add3A_160 = arith.addf %scan3A_130, %mul3A_159 : vector<16xf32>
        %mul3A_161 = arith.mulf %get3A_146, %get3A_158 : vector<16xf32>
        %add3A_162 = arith.addf %scan3A_131, %mul3A_161 : vector<16xf32>
        %mul3A_163 = arith.mulf %get3A_150, %get3A_154 : vector<16xf32>
        %add3A_164 = arith.addf %scan3A_132, %mul3A_163 : vector<16xf32>
        %mul3A_165 = arith.mulf %get3A_150, %get3A_158 : vector<16xf32>
        %add3A_166 = arith.addf %scan3A_133, %mul3A_165 : vector<16xf32>
        %mul3A_167 = arith.constant 8 : i32
        %mul3A_168 = arith.muli %scan3A_129, %mul3A_167 : i32
        %add3A_169 = arith.constant 1 : i32
        %add3A_170 = arith.addi %mul3A_168, %add3A_169 : i32
        %mul3A_171 = arith.constant 16 : i32
        %mul3A_172 = arith.muli %add3A_170, %mul3A_171 : i32
        %get3A_173 = arith.constant 0 : i32
        %get3A_174 = arith.index_cast %get3A_173 : i32 to index
        %get3A_175 = arith.index_cast %mul3A_172 : i32 to index
        %get3A_176 = tpu.vector_load %arg5[%get3A_174, %get3A_175] {strides = array<i32>} : memref<2x5120xf32, #tpu.memory_space<vmem>>, vector<16xf32>,
        %get3A_177 = arith.constant 1 : i32
        %get3A_178 = arith.index_cast %get3A_177 : i32 to index
        %get3A_179 = arith.index_cast %mul3A_172 : i32 to index
        %get3A_180 = tpu.vector_load %arg5[%get3A_178, %get3A_179] {strides = array<i32>} : memref<2x5120xf32, #tpu.memory_space<vmem>>, vector<16xf32>,
        %get3A_181 = arith.constant 0 : i32
        %get3A_182 = arith.index_cast %get3A_181 : i32 to index
        %get3A_183 = arith.index_cast %mul3A_172 : i32 to index
        %get3A_184 = tpu.vector_load %arg7[%get3A_182, %get3A_183] {strides = array<i32>} : memref<2x5120xf32, #tpu.memory_space<vmem>>, vector<16xf32>,
        %get3A_185 = arith.constant 1 : i32
        %get3A_186 = arith.index_cast %get3A_185 : i32 to index
        %get3A_187 = arith.index_cast %mul3A_172 : i32 to index
        %get3A_188 = tpu.vector_load %arg7[%get3A_186, %get3A_187] {strides = array<i32>} : memref<2x5120xf32, #tpu.memory_space<vmem>>, vector<16xf32>,
        %mul3A_189 = arith.mulf %get3A_176, %get3A_184 : vector<16xf32>
        %add3A_190 = arith.addf %scan3A_134, %mul3A_189 : vector<16xf32>
        %mul3A_191 = arith.mulf %get3A_176, %get3A_188 : vector<16xf32>
        %add3A_192 = arith.addf %scan3A_135, %mul3A_191 : vector<16xf32>
        %mul3A_193 = arith.mulf %get3A_180, %get3A_184 : vector<16xf32>
        %add3A_194 = arith.addf %scan3A_136, %mul3A_193 : vector<16xf32>
        %mul3A_195 = arith.mulf %get3A_180, %get3A_188 : vector<16xf32>
        %add3A_196 = arith.addf %scan3A_137, %mul3A_195 : vector<16xf32>
        %mul3A_197 = arith.constant 8 : i32
        %mul3A_198 = arith.muli %scan3A_129, %mul3A_197 : i32
        %add3A_199 = arith.constant 2 : i32
        %add3A_200 = arith.addi %mul3A_198, %add3A_199 : i32
        %mul3A_201 = arith.constant 16 : i32
        %mul3A_202 = arith.muli %add3A_200, %mul3A_201 : i32
        %get3A_203 = arith.constant 0 : i32
        %get3A_204 = arith.index_cast %get3A_203 : i32 to index
        %get3A_205 = arith.index_cast %mul3A_202 : i32 to index
        %get3A_206 = tpu.vector_load %arg5[%get3A_204, %get3A_205] {strides = array<i32>} : memref<2x5120xf32, #tpu.memory_space<vmem>>, vector<16xf32>,
        %get3A_207 = arith.constant 1 : i32
        %get3A_208 = arith.index_cast %get3A_207 : i32 to index
        %get3A_209 = arith.index_cast %mul3A_202 : i32 to index
        %get3A_210 = tpu.vector_load %arg5[%get3A_208, %get3A_209] {strides = array<i32>} : memref<2x5120xf32, #tpu.memory_space<vmem>>, vector<16xf32>,
        %get3A_211 = arith.constant 0 : i32
        %get3A_212 = arith.index_cast %get3A_211 : i32 to index
        %get3A_213 = arith.index_cast %mul3A_202 : i32 to index
        %get3A_214 = tpu.vector_load %arg7[%get3A_212, %get3A_213] {strides = array<i32>} : memref<2x5120xf32, #tpu.memory_space<vmem>>, vector<16xf32>,
        %get3A_215 = arith.constant 1 : i32
        %get3A_216 = arith.index_cast %get3A_215 : i32 to index
        %get3A_217 = arith.index_cast %mul3A_202 : i32 to index
        %get3A_218 = tpu.vector_load %arg7[%get3A_216, %get3A_217] {strides = array<i32>} : memref<2x5120xf32, #tpu.memory_space<vmem>>, vector<16xf32>,
        %mul3A_219 = arith.mulf %get3A_206, %get3A_214 : vector<16xf32>
        %add3A_220 = arith.addf %add3A_160, %mul3A_219 : vector<16xf32>
        %mul3A_221 = arith.mulf %get3A_206, %get3A_218 : vector<16xf32>
        %add3A_222 = arith.addf %add3A_162, %mul3A_221 : vector<16xf32>
        %mul3A_223 = arith.mulf %get3A_210, %get3A_214 : vector<16xf32>
        %add3A_224 = arith.addf %add3A_164, %mul3A_223 : vector<16xf32>
        %mul3A_225 = arith.mulf %get3A_210, %get3A_218 : vector<16xf32>
        %add3A_226 = arith.addf %add3A_166, %mul3A_225 : vector<16xf32>
        %mul3A_227 = arith.constant 8 : i32
        %mul3A_228 = arith.muli %scan3A_129, %mul3A_227 : i32
        %add3A_229 = arith.constant 3 : i32
        %add3A_230 = arith.addi %mul3A_228, %add3A_229 : i32
        %mul3A_231 = arith.constant 16 : i32
        %mul3A_232 = arith.muli %add3A_230, %mul3A_231 : i32
        %get3A_233 = arith.constant 0 : i32
        %get3A_234 = arith.index_cast %get3A_233 : i32 to index
        %get3A_235 = arith.index_cast %mul3A_232 : i32 to index
        %get3A_236 = tpu.vector_load %arg5[%get3A_234, %get3A_235] {strides = array<i32>} : memref<2x5120xf32, #tpu.memory_space<vmem>>, vector<16xf32>,
        %get3A_237 = arith.constant 1 : i32
        %get3A_238 = arith.index_cast %get3A_237 : i32 to index
        %get3A_239 = arith.index_cast %mul3A_232 : i32 to index
        %get3A_240 = tpu.vector_load %arg5[%get3A_238, %get3A_239] {strides = array<i32>} : memref<2x5120xf32, #tpu.memory_space<vmem>>, vector<16xf32>,
        %get3A_241 = arith.constant 0 : i32
        %get3A_242 = arith.index_cast %get3A_241 : i32 to index
        %get3A_243 = arith.index_cast %mul3A_232 : i32 to index
        %get3A_244 = tpu.vector_load %arg7[%get3A_242, %get3A_243] {strides = array<i32>} : memref<2x5120xf32, #tpu.memory_space<vmem>>, vector<16xf32>,
        %get3A_245 = arith.constant 1 : i32
        %get3A_246 = arith.index_cast %get3A_245 : i32 to index
        %get3A_247 = arith.index_cast %mul3A_232 : i32 to index
        %get3A_248 = tpu.vector_load %arg7[%get3A_246, %get3A_247] {strides = array<i32>} : memref<2x5120xf32, #tpu.memory_space<vmem>>, vector<16xf32>,
        %mul3A_249 = arith.mulf %get3A_236, %get3A_244 : vector<16xf32>
        %add3A_250 = arith.addf %add3A_190, %mul3A_249 : vector<16xf32>
        %mul3A_251 = arith.mulf %get3A_236, %get3A_248 : vector<16xf32>
        %add3A_252 = arith.addf %add3A_192, %mul3A_251 : vector<16xf32>
        %mul3A_253 = arith.mulf %get3A_240, %get3A_244 : vector<16xf32>
        %add3A_254 = arith.addf %add3A_194, %mul3A_253 : vector<16xf32>
        %mul3A_255 = arith.mulf %get3A_240, %get3A_248 : vector<16xf32>
        %add3A_256 = arith.addf %add3A_196, %mul3A_255 : vector<16xf32>
        %mul3A_257 = arith.constant 8 : i32
        %mul3A_258 = arith.muli %scan3A_129, %mul3A_257 : i32
        %add3A_259 = arith.constant 4 : i32
        %add3A_260 = arith.addi %mul3A_258, %add3A_259 : i32
        %mul3A_261 = arith.constant 16 : i32
        %mul3A_262 = arith.muli %add3A_260, %mul3A_261 : i32
        %get3A_263 = arith.constant 0 : i32
        %get3A_264 = arith.index_cast %get3A_263 : i32 to index
        %get3A_265 = arith.index_cast %mul3A_262 : i32 to index
        %get3A_266 = tpu.vector_load %arg5[%get3A_264, %get3A_265] {strides = array<i32>} : memref<2x5120xf32, #tpu.memory_space<vmem>>, vector<16xf32>,
        %get3A_267 = arith.constant 1 : i32
        %get3A_268 = arith.index_cast %get3A_267 : i32 to index
        %get3A_269 = arith.index_cast %mul3A_262 : i32 to index
        %get3A_270 = tpu.vector_load %arg5[%get3A_268, %get3A_269] {strides = array<i32>} : memref<2x5120xf32, #tpu.memory_space<vmem>>, vector<16xf32>,
        %get3A_271 = arith.constant 0 : i32
        %get3A_272 = arith.index_cast %get3A_271 : i32 to index
        %get3A_273 = arith.index_cast %mul3A_262 : i32 to index
        %get3A_274 = tpu.vector_load %arg7[%get3A_272, %get3A_273] {strides = array<i32>} : memref<2x5120xf32, #tpu.memory_space<vmem>>, vector<16xf32>,
        %get3A_275 = arith.constant 1 : i32
        %get3A_276 = arith.index_cast %get3A_275 : i32 to index
        %get3A_277 = arith.index_cast %mul3A_262 : i32 to index
        %get3A_278 = tpu.vector_load %arg7[%get3A_276, %get3A_277] {strides = array<i32>} : memref<2x5120xf32, #tpu.memory_space<vmem>>, vector<16xf32>,
        %mul3A_279 = arith.mulf %get3A_266, %get3A_274 : vector<16xf32>
        %add3A_280 = arith.addf %add3A_220, %mul3A_279 : vector<16xf32>
        %mul3A_281 = arith.mulf %get3A_266, %get3A_278 : vector<16xf32>
        %add3A_282 = arith.addf %add3A_222, %mul3A_281 : vector<16xf32>
        %mul3A_283 = arith.mulf %get3A_270, %get3A_274 : vector<16xf32>
        %add3A_284 = arith.addf %add3A_224, %mul3A_283 : vector<16xf32>
        %mul3A_285 = arith.mulf %get3A_270, %get3A_278 : vector<16xf32>
        %add3A_286 = arith.addf %add3A_226, %mul3A_285 : vector<16xf32>
        %mul3A_287 = arith.constant 8 : i32
        %mul3A_288 = arith.muli %scan3A_129, %mul3A_287 : i32
        %add3A_289 = arith.constant 5 : i32
        %add3A_290 = arith.addi %mul3A_288, %add3A_289 : i32
        %mul3A_291 = arith.constant 16 : i32
        %mul3A_292 = arith.muli %add3A_290, %mul3A_291 : i32
        %get3A_293 = arith.constant 0 : i32
        %get3A_294 = arith.index_cast %get3A_293 : i32 to index
        %get3A_295 = arith.index_cast %mul3A_292 : i32 to index
        %get3A_296 = tpu.vector_load %arg5[%get3A_294, %get3A_295] {strides = array<i32>} : memref<2x5120xf32, #tpu.memory_space<vmem>>, vector<16xf32>,
        %get3A_297 = arith.constant 1 : i32
        %get3A_298 = arith.index_cast %get3A_297 : i32 to index
        %get3A_299 = arith.index_cast %mul3A_292 : i32 to index
        %get3A_300 = tpu.vector_load %arg5[%get3A_298, %get3A_299] {strides = array<i32>} : memref<2x5120xf32, #tpu.memory_space<vmem>>, vector<16xf32>,
        %get3A_301 = arith.constant 0 : i32
        %get3A_302 = arith.index_cast %get3A_301 : i32 to index
        %get3A_303 = arith.index_cast %mul3A_292 : i32 to index
        %get3A_304 = tpu.vector_load %arg7[%get3A_302, %get3A_303] {strides = array<i32>} : memref<2x5120xf32, #tpu.memory_space<vmem>>, vector<16xf32>,
        %get3A_305 = arith.constant 1 : i32
        %get3A_306 = arith.index_cast %get3A_305 : i32 to index
        %get3A_307 = arith.index_cast %mul3A_292 : i32 to index
        %get3A_308 = tpu.vector_load %arg7[%get3A_306, %get3A_307] {strides = array<i32>} : memref<2x5120xf32, #tpu.memory_space<vmem>>, vector<16xf32>,
        %mul3A_309 = arith.mulf %get3A_296, %get3A_304 : vector<16xf32>
        %add3A_310 = arith.addf %add3A_250, %mul3A_309 : vector<16xf32>
        %mul3A_311 = arith.mulf %get3A_296, %get3A_308 : vector<16xf32>
        %add3A_312 = arith.addf %add3A_252, %mul3A_311 : vector<16xf32>
        %mul3A_313 = arith.mulf %get3A_300, %get3A_304 : vector<16xf32>
        %add3A_314 = arith.addf %add3A_254, %mul3A_313 : vector<16xf32>
        %mul3A_315 = arith.mulf %get3A_300, %get3A_308 : vector<16xf32>
        %add3A_316 = arith.addf %add3A_256, %mul3A_315 : vector<16xf32>
        %mul3A_317 = arith.constant 8 : i32
        %mul3A_318 = arith.muli %scan3A_129, %mul3A_317 : i32
        %add3A_319 = arith.constant 6 : i32
        %add3A_320 = arith.addi %mul3A_318, %add3A_319 : i32
        %mul3A_321 = arith.constant 16 : i32
        %mul3A_322 = arith.muli %add3A_320, %mul3A_321 : i32
        %get3A_323 = arith.constant 0 : i32
        %get3A_324 = arith.index_cast %get3A_323 : i32 to index
        %get3A_325 = arith.index_cast %mul3A_322 : i32 to index
        %get3A_326 = tpu.vector_load %arg5[%get3A_324, %get3A_325] {strides = array<i32>} : memref<2x5120xf32, #tpu.memory_space<vmem>>, vector<16xf32>,
        %get3A_327 = arith.constant 1 : i32
        %get3A_328 = arith.index_cast %get3A_327 : i32 to index
        %get3A_329 = arith.index_cast %mul3A_322 : i32 to index
        %get3A_330 = tpu.vector_load %arg5[%get3A_328, %get3A_329] {strides = array<i32>} : memref<2x5120xf32, #tpu.memory_space<vmem>>, vector<16xf32>,
        %get3A_331 = arith.constant 0 : i32
        %get3A_332 = arith.index_cast %get3A_331 : i32 to index
        %get3A_333 = arith.index_cast %mul3A_322 : i32 to index
        %get3A_334 = tpu.vector_load %arg7[%get3A_332, %get3A_333] {strides = array<i32>} : memref<2x5120xf32, #tpu.memory_space<vmem>>, vector<16xf32>,
        %get3A_335 = arith.constant 1 : i32
        %get3A_336 = arith.index_cast %get3A_335 : i32 to index
        %get3A_337 = arith.index_cast %mul3A_322 : i32 to index
        %get3A_338 = tpu.vector_load %arg7[%get3A_336, %get3A_337] {strides = array<i32>} : memref<2x5120xf32, #tpu.memory_space<vmem>>, vector<16xf32>,
        %mul3A_339 = arith.mulf %get3A_326, %get3A_334 : vector<16xf32>
        %add3A_340 = arith.addf %add3A_280, %mul3A_339 : vector<16xf32>
        %mul3A_341 = arith.mulf %get3A_326, %get3A_338 : vector<16xf32>
        %add3A_342 = arith.addf %add3A_282, %mul3A_341 : vector<16xf32>
        %mul3A_343 = arith.mulf %get3A_330, %get3A_334 : vector<16xf32>
        %add3A_344 = arith.addf %add3A_284, %mul3A_343 : vector<16xf32>
        %mul3A_345 = arith.mulf %get3A_330, %get3A_338 : vector<16xf32>
        %add3A_346 = arith.addf %add3A_286, %mul3A_345 : vector<16xf32>
        %mul3A_347 = arith.constant 8 : i32
        %mul3A_348 = arith.muli %scan3A_129, %mul3A_347 : i32
        %add3A_349 = arith.constant 7 : i32
        %add3A_350 = arith.addi %mul3A_348, %add3A_349 : i32
        %mul3A_351 = arith.constant 16 : i32
        %mul3A_352 = arith.muli %add3A_350, %mul3A_351 : i32
        %get3A_353 = arith.constant 0 : i32
        %get3A_354 = arith.index_cast %get3A_353 : i32 to index
        %get3A_355 = arith.index_cast %mul3A_352 : i32 to index
        %get3A_356 = tpu.vector_load %arg5[%get3A_354, %get3A_355] {strides = array<i32>} : memref<2x5120xf32, #tpu.memory_space<vmem>>, vector<16xf32>,
        %get3A_357 = arith.constant 1 : i32
        %get3A_358 = arith.index_cast %get3A_357 : i32 to index
        %get3A_359 = arith.index_cast %mul3A_352 : i32 to index
        %get3A_360 = tpu.vector_load %arg5[%get3A_358, %get3A_359] {strides = array<i32>} : memref<2x5120xf32, #tpu.memory_space<vmem>>, vector<16xf32>,
        %get3A_361 = arith.constant 0 : i32
        %get3A_362 = arith.index_cast %get3A_361 : i32 to index
        %get3A_363 = arith.index_cast %mul3A_352 : i32 to index
        %get3A_364 = tpu.vector_load %arg7[%get3A_362, %get3A_363] {strides = array<i32>} : memref<2x5120xf32, #tpu.memory_space<vmem>>, vector<16xf32>,
        %get3A_365 = arith.constant 1 : i32
        %get3A_366 = arith.index_cast %get3A_365 : i32 to index
        %get3A_367 = arith.index_cast %mul3A_352 : i32 to index
        %get3A_368 = tpu.vector_load %arg7[%get3A_366, %get3A_367] {strides = array<i32>} : memref<2x5120xf32, #tpu.memory_space<vmem>>, vector<16xf32>,
        %mul3A_369 = arith.mulf %get3A_356, %get3A_364 : vector<16xf32>
        %add3A_370 = arith.addf %add3A_310, %mul3A_369 : vector<16xf32>
        %mul3A_371 = arith.mulf %get3A_356, %get3A_368 : vector<16xf32>
        %add3A_372 = arith.addf %add3A_312, %mul3A_371 : vector<16xf32>
        %mul3A_373 = arith.mulf %get3A_360, %get3A_364 : vector<16xf32>
        %add3A_374 = arith.addf %add3A_314, %mul3A_373 : vector<16xf32>
        %mul3A_375 = arith.mulf %get3A_360, %get3A_368 : vector<16xf32>
        %add3A_376 = arith.addf %add3A_316, %mul3A_375 : vector<16xf32>
        scf.yield %add3A_340, %add3A_342, %add3A_344, %add3A_346, %add3A_370, %add3A_372, %add3A_374, %add3A_376 : vector<16xf32>, vector<16xf32>, vector<16xf32>, vector<16xf32>, vector<16xf32>, vector<16xf32>, vector<16xf32>, vector<16xf32>
      }
      %scan3A_117 = arith.constant 40 : i32
      %add3A_118 = arith.constant 1 : i32
      %add3A_119 = arith.addi %add3A_100, %add3A_118 : i32
      %lt3A_120 = arith.cmpi slt, %add3A_119, %select_n3A : i32
      %convert_element_type3A_121 = arith.extui %lt3A_120 : i1 to i32
      %cond3A_122 = arith.constant 0 : i32
      %cond3A_123 = arith.cmpi ne, %convert_element_type3A_121, %cond3A_122 : i32
      scf.if %cond3A_123 {
        %add3A_129 = arith.constant 1 : i32
        %add3A_130 = arith.addi %add3A_100, %add3A_129 : i32
        %mul3A_131 = arith.constant 32 : i32
        %mul3A_132 = arith.muli %add3A_130, %mul3A_131 : i32
        %add3A_133 = arith.addi %add3A, %mul3A_132 : i32
        %mul3A_134 = arith.constant 5120 : i32
        %mul3A_135 = arith.muli %add3A_133, %mul3A_134 : i32
        %add3A_136 = arith.constant 2293760 : i32
        %add3A_137 = arith.addi %add3A_136, %mul3A_135 : i32
        %dma_start3A_138 = arith.constant 0 : i32
        %dma_start3A_139 = tpu.memref_slice %arg2[%dma_start3A_138, %add3A_137] : memref<2x6400000xf32, #tpu.memory_space<hbm>> -> memref<2x5120xf32, #tpu.memory_space<hbm>>
        %dma_start3A_140 = arith.constant 0 : i32
        %dma_start3A_141 = tpu.memref_slice %arg2[%dma_start3A_140, %add3A_137] : memref<2x6400000xf32, #tpu.memory_space<hbm>> -> memref<2x5120xf32, #tpu.memory_space<hbm>>
        tpu.enqueue_dma source(%dma_start3A_141 : memref<2x5120xf32, #tpu.memory_space<hbm>>) target(%arg5 : memref<2x5120xf32, #tpu.memory_space<vmem>>) target_semaphore(%arg10 : memref<!tpu.dma_semaphore, #tpu.memory_space<semaphore_mem>>)
        %dma_start3A_142 = arith.constant 0 : i32
        %dma_start3A_143 = tpu.memref_slice %arg3[%dma_start3A_142, %add3A_137] : memref<2x6400000xf32, #tpu.memory_space<hbm>> -> memref<2x5120xf32, #tpu.memory_space<hbm>>
        %dma_start3A_144 = arith.constant 0 : i32
        %dma_start3A_145 = tpu.memref_slice %arg3[%dma_start3A_144, %add3A_137] : memref<2x6400000xf32, #tpu.memory_space<hbm>> -> memref<2x5120xf32, #tpu.memory_space<hbm>>
        tpu.enqueue_dma source(%dma_start3A_145 : memref<2x5120xf32, #tpu.memory_space<hbm>>) target(%arg7 : memref<2x5120xf32, #tpu.memory_space<vmem>>) target_semaphore(%arg10 : memref<!tpu.dma_semaphore, #tpu.memory_space<semaphore_mem>>)
      } else {
      }
      %lt3A_124 = arith.cmpi slt, %add3A_100, %select_n3A : i32
      %convert_element_type3A_125 = arith.extui %lt3A_124 : i1 to i32
      %cond3A_126 = arith.constant 0 : i32
      %cond3A_127 = arith.cmpi ne, %convert_element_type3A_125, %cond3A_126 : i32
      %cond3A_128:8 = scf.if %cond3A_127 -> (vector<16xf32>, vector<16xf32>, vector<16xf32>, vector<16xf32>, vector<16xf32>, vector<16xf32>, vector<16xf32>, vector<16xf32>) {
        %dma_wait3A_129 = arith.constant 0 : i32
        %dma_wait3A_130 = arith.constant 0 : i32
        %dma_wait3A_131 = tpu.memref_slice %arg2[%dma_wait3A_129, %dma_wait3A_130] : memref<2x6400000xf32, #tpu.memory_space<hbm>> -> memref<2x5120xf32, #tpu.memory_space<hbm>>
        %dma_wait3A_132 = arith.constant 0 : i32
        %dma_wait3A_133 = arith.constant 0 : i32
        %dma_wait3A_134 = tpu.memref_slice %arg2[%dma_wait3A_132, %dma_wait3A_133] : memref<2x6400000xf32, #tpu.memory_space<hbm>> -> memref<2x5120xf32, #tpu.memory_space<hbm>>
        tpu.wait_dma2 semaphore(%arg11 : memref<!tpu.dma_semaphore, #tpu.memory_space<semaphore_mem>>) src(%dma_wait3A_134 : memref<2x5120xf32, #tpu.memory_space<hbm>>) dst(%arg6 : memref<2x5120xf32, #tpu.memory_space<vmem>>)
        %dma_wait3A_135 = arith.constant 0 : i32
        %dma_wait3A_136 = arith.constant 0 : i32
        %dma_wait3A_137 = tpu.memref_slice %arg3[%dma_wait3A_135, %dma_wait3A_136] : memref<2x6400000xf32, #tpu.memory_space<hbm>> -> memref<2x5120xf32, #tpu.memory_space<hbm>>
        %dma_wait3A_138 = arith.constant 0 : i32
        %dma_wait3A_139 = arith.constant 0 : i32
        %dma_wait3A_140 = tpu.memref_slice %arg3[%dma_wait3A_138, %dma_wait3A_139] : memref<2x6400000xf32, #tpu.memory_space<hbm>> -> memref<2x5120xf32, #tpu.memory_space<hbm>>
        tpu.wait_dma2 semaphore(%arg11 : memref<!tpu.dma_semaphore, #tpu.memory_space<semaphore_mem>>) src(%dma_wait3A_140 : memref<2x5120xf32, #tpu.memory_space<hbm>>) dst(%arg8 : memref<2x5120xf32, #tpu.memory_space<vmem>>)
        %scan3A_141 = arith.constant 0 : i32
        %scan3A_142 = arith.constant 40 : i32
        %scan3A_143 = arith.addi %scan3A_141, %scan3A_142 : i32
        %scan3A_144 = arith.constant 1 : i32
        %scan3A_145:8 = scf.for %scan3A_147 = %scan3A_141 to %scan3A_143 step %scan3A_144 iter_args(%scan3A_148 = %scan3A_116#0, %scan3A_149 = %scan3A_116#1, %scan3A_150 = %scan3A_116#2, %scan3A_151 = %scan3A_116#3, %scan3A_152 = %scan3A_116#4, %scan3A_153 = %scan3A_116#5, %scan3A_154 = %scan3A_116#6, %scan3A_155 = %scan3A_116#7) -> (vector<16xf32>, vector<16xf32>, vector<16xf32>, vector<16xf32>, vector<16xf32>, vector<16xf32>, vector<16xf32>, vector<16xf32>)  : i32 {
          %mul3A_156 = arith.constant 8 : i32
          %mul3A_157 = arith.muli %scan3A_147, %mul3A_156 : i32
          %add3A_158 = arith.constant 0 : i32
          %add3A_159 = arith.addi %mul3A_157, %add3A_158 : i32
          %mul3A_160 = arith.constant 16 : i32
          %mul3A_161 = arith.muli %add3A_159, %mul3A_160 : i32
          %get3A = arith.constant 0 : i32
          %get3A_162 = arith.index_cast %get3A : i32 to index
          %get3A_163 = arith.index_cast %mul3A_161 : i32 to index
          %get3A_164 = tpu.vector_load %arg6[%get3A_162, %get3A_163] {strides = array<i32>} : memref<2x5120xf32, #tpu.memory_space<vmem>>, vector<16xf32>,
          %get3A_165 = arith.constant 1 : i32
          %get3A_166 = arith.index_cast %get3A_165 : i32 to index
          %get3A_167 = arith.index_cast %mul3A_161 : i32 to index
          %get3A_168 = tpu.vector_load %arg6[%get3A_166, %get3A_167] {strides = array<i32>} : memref<2x5120xf32, #tpu.memory_space<vmem>>, vector<16xf32>,
          %get3A_169 = arith.constant 0 : i32
          %get3A_170 = arith.index_cast %get3A_169 : i32 to index
          %get3A_171 = arith.index_cast %mul3A_161 : i32 to index
          %get3A_172 = tpu.vector_load %arg8[%get3A_170, %get3A_171] {strides = array<i32>} : memref<2x5120xf32, #tpu.memory_space<vmem>>, vector<16xf32>,
          %get3A_173 = arith.constant 1 : i32
          %get3A_174 = arith.index_cast %get3A_173 : i32 to index
          %get3A_175 = arith.index_cast %mul3A_161 : i32 to index
          %get3A_176 = tpu.vector_load %arg8[%get3A_174, %get3A_175] {strides = array<i32>} : memref<2x5120xf32, #tpu.memory_space<vmem>>, vector<16xf32>,
          %mul3A_177 = arith.mulf %get3A_164, %get3A_172 : vector<16xf32>
          %add3A_178 = arith.addf %scan3A_148, %mul3A_177 : vector<16xf32>
          %mul3A_179 = arith.mulf %get3A_164, %get3A_176 : vector<16xf32>
          %add3A_180 = arith.addf %scan3A_149, %mul3A_179 : vector<16xf32>
          %mul3A_181 = arith.mulf %get3A_168, %get3A_172 : vector<16xf32>
          %add3A_182 = arith.addf %scan3A_150, %mul3A_181 : vector<16xf32>
          %mul3A_183 = arith.mulf %get3A_168, %get3A_176 : vector<16xf32>
          %add3A_184 = arith.addf %scan3A_151, %mul3A_183 : vector<16xf32>
          %mul3A_185 = arith.constant 8 : i32
          %mul3A_186 = arith.muli %scan3A_147, %mul3A_185 : i32
          %add3A_187 = arith.constant 1 : i32
          %add3A_188 = arith.addi %mul3A_186, %add3A_187 : i32
          %mul3A_189 = arith.constant 16 : i32
          %mul3A_190 = arith.muli %add3A_188, %mul3A_189 : i32
          %get3A_191 = arith.constant 0 : i32
          %get3A_192 = arith.index_cast %get3A_191 : i32 to index
          %get3A_193 = arith.index_cast %mul3A_190 : i32 to index
          %get3A_194 = tpu.vector_load %arg6[%get3A_192, %get3A_193] {strides = array<i32>} : memref<2x5120xf32, #tpu.memory_space<vmem>>, vector<16xf32>,
          %get3A_195 = arith.constant 1 : i32
          %get3A_196 = arith.index_cast %get3A_195 : i32 to index
          %get3A_197 = arith.index_cast %mul3A_190 : i32 to index
          %get3A_198 = tpu.vector_load %arg6[%get3A_196, %get3A_197] {strides = array<i32>} : memref<2x5120xf32, #tpu.memory_space<vmem>>, vector<16xf32>,
          %get3A_199 = arith.constant 0 : i32
          %get3A_200 = arith.index_cast %get3A_199 : i32 to index
          %get3A_201 = arith.index_cast %mul3A_190 : i32 to index
          %get3A_202 = tpu.vector_load %arg8[%get3A_200, %get3A_201] {strides = array<i32>} : memref<2x5120xf32, #tpu.memory_space<vmem>>, vector<16xf32>,
          %get3A_203 = arith.constant 1 : i32
          %get3A_204 = arith.index_cast %get3A_203 : i32 to index
          %get3A_205 = arith.index_cast %mul3A_190 : i32 to index
          %get3A_206 = tpu.vector_load %arg8[%get3A_204, %get3A_205] {strides = array<i32>} : memref<2x5120xf32, #tpu.memory_space<vmem>>, vector<16xf32>,
          %mul3A_207 = arith.mulf %get3A_194, %get3A_202 : vector<16xf32>
          %add3A_208 = arith.addf %scan3A_152, %mul3A_207 : vector<16xf32>
          %mul3A_209 = arith.mulf %get3A_194, %get3A_206 : vector<16xf32>
          %add3A_210 = arith.addf %scan3A_153, %mul3A_209 : vector<16xf32>
          %mul3A_211 = arith.mulf %get3A_198, %get3A_202 : vector<16xf32>
          %add3A_212 = arith.addf %scan3A_154, %mul3A_211 : vector<16xf32>
          %mul3A_213 = arith.mulf %get3A_198, %get3A_206 : vector<16xf32>
          %add3A_214 = arith.addf %scan3A_155, %mul3A_213 : vector<16xf32>
          %mul3A_215 = arith.constant 8 : i32
          %mul3A_216 = arith.muli %scan3A_147, %mul3A_215 : i32
          %add3A_217 = arith.constant 2 : i32
          %add3A_218 = arith.addi %mul3A_216, %add3A_217 : i32
          %mul3A_219 = arith.constant 16 : i32
          %mul3A_220 = arith.muli %add3A_218, %mul3A_219 : i32
          %get3A_221 = arith.constant 0 : i32
          %get3A_222 = arith.index_cast %get3A_221 : i32 to index
          %get3A_223 = arith.index_cast %mul3A_220 : i32 to index
          %get3A_224 = tpu.vector_load %arg6[%get3A_222, %get3A_223] {strides = array<i32>} : memref<2x5120xf32, #tpu.memory_space<vmem>>, vector<16xf32>,
          %get3A_225 = arith.constant 1 : i32
          %get3A_226 = arith.index_cast %get3A_225 : i32 to index
          %get3A_227 = arith.index_cast %mul3A_220 : i32 to index
          %get3A_228 = tpu.vector_load %arg6[%get3A_226, %get3A_227] {strides = array<i32>} : memref<2x5120xf32, #tpu.memory_space<vmem>>, vector<16xf32>,
          %get3A_229 = arith.constant 0 : i32
          %get3A_230 = arith.index_cast %get3A_229 : i32 to index
          %get3A_231 = arith.index_cast %mul3A_220 : i32 to index
          %get3A_232 = tpu.vector_load %arg8[%get3A_230, %get3A_231] {strides = array<i32>} : memref<2x5120xf32, #tpu.memory_space<vmem>>, vector<16xf32>,
          %get3A_233 = arith.constant 1 : i32
          %get3A_234 = arith.index_cast %get3A_233 : i32 to index
          %get3A_235 = arith.index_cast %mul3A_220 : i32 to index
          %get3A_236 = tpu.vector_load %arg8[%get3A_234, %get3A_235] {strides = array<i32>} : memref<2x5120xf32, #tpu.memory_space<vmem>>, vector<16xf32>,
          %mul3A_237 = arith.mulf %get3A_224, %get3A_232 : vector<16xf32>
          %add3A_238 = arith.addf %add3A_178, %mul3A_237 : vector<16xf32>
          %mul3A_239 = arith.mulf %get3A_224, %get3A_236 : vector<16xf32>
          %add3A_240 = arith.addf %add3A_180, %mul3A_239 : vector<16xf32>
          %mul3A_241 = arith.mulf %get3A_228, %get3A_232 : vector<16xf32>
          %add3A_242 = arith.addf %add3A_182, %mul3A_241 : vector<16xf32>
          %mul3A_243 = arith.mulf %get3A_228, %get3A_236 : vector<16xf32>
          %add3A_244 = arith.addf %add3A_184, %mul3A_243 : vector<16xf32>
          %mul3A_245 = arith.constant 8 : i32
          %mul3A_246 = arith.muli %scan3A_147, %mul3A_245 : i32
          %add3A_247 = arith.constant 3 : i32
          %add3A_248 = arith.addi %mul3A_246, %add3A_247 : i32
          %mul3A_249 = arith.constant 16 : i32
          %mul3A_250 = arith.muli %add3A_248, %mul3A_249 : i32
          %get3A_251 = arith.constant 0 : i32
          %get3A_252 = arith.index_cast %get3A_251 : i32 to index
          %get3A_253 = arith.index_cast %mul3A_250 : i32 to index
          %get3A_254 = tpu.vector_load %arg6[%get3A_252, %get3A_253] {strides = array<i32>} : memref<2x5120xf32, #tpu.memory_space<vmem>>, vector<16xf32>,
          %get3A_255 = arith.constant 1 : i32
          %get3A_256 = arith.index_cast %get3A_255 : i32 to index
          %get3A_257 = arith.index_cast %mul3A_250 : i32 to index
          %get3A_258 = tpu.vector_load %arg6[%get3A_256, %get3A_257] {strides = array<i32>} : memref<2x5120xf32, #tpu.memory_space<vmem>>, vector<16xf32>,
          %get3A_259 = arith.constant 0 : i32
          %get3A_260 = arith.index_cast %get3A_259 : i32 to index
          %get3A_261 = arith.index_cast %mul3A_250 : i32 to index
          %get3A_262 = tpu.vector_load %arg8[%get3A_260, %get3A_261] {strides = array<i32>} : memref<2x5120xf32, #tpu.memory_space<vmem>>, vector<16xf32>,
          %get3A_263 = arith.constant 1 : i32
          %get3A_264 = arith.index_cast %get3A_263 : i32 to index
          %get3A_265 = arith.index_cast %mul3A_250 : i32 to index
          %get3A_266 = tpu.vector_load %arg8[%get3A_264, %get3A_265] {strides = array<i32>} : memref<2x5120xf32, #tpu.memory_space<vmem>>, vector<16xf32>,
          %mul3A_267 = arith.mulf %get3A_254, %get3A_262 : vector<16xf32>
          %add3A_268 = arith.addf %add3A_208, %mul3A_267 : vector<16xf32>
          %mul3A_269 = arith.mulf %get3A_254, %get3A_266 : vector<16xf32>
          %add3A_270 = arith.addf %add3A_210, %mul3A_269 : vector<16xf32>
          %mul3A_271 = arith.mulf %get3A_258, %get3A_262 : vector<16xf32>
          %add3A_272 = arith.addf %add3A_212, %mul3A_271 : vector<16xf32>
          %mul3A_273 = arith.mulf %get3A_258, %get3A_266 : vector<16xf32>
          %add3A_274 = arith.addf %add3A_214, %mul3A_273 : vector<16xf32>
          %mul3A_275 = arith.constant 8 : i32
          %mul3A_276 = arith.muli %scan3A_147, %mul3A_275 : i32
          %add3A_277 = arith.constant 4 : i32
          %add3A_278 = arith.addi %mul3A_276, %add3A_277 : i32
          %mul3A_279 = arith.constant 16 : i32
          %mul3A_280 = arith.muli %add3A_278, %mul3A_279 : i32
          %get3A_281 = arith.constant 0 : i32
          %get3A_282 = arith.index_cast %get3A_281 : i32 to index
          %get3A_283 = arith.index_cast %mul3A_280 : i32 to index
          %get3A_284 = tpu.vector_load %arg6[%get3A_282, %get3A_283] {strides = array<i32>} : memref<2x5120xf32, #tpu.memory_space<vmem>>, vector<16xf32>,
          %get3A_285 = arith.constant 1 : i32
          %get3A_286 = arith.index_cast %get3A_285 : i32 to index
          %get3A_287 = arith.index_cast %mul3A_280 : i32 to index
          %get3A_288 = tpu.vector_load %arg6[%get3A_286, %get3A_287] {strides = array<i32>} : memref<2x5120xf32, #tpu.memory_space<vmem>>, vector<16xf32>,
          %get3A_289 = arith.constant 0 : i32
          %get3A_290 = arith.index_cast %get3A_289 : i32 to index
          %get3A_291 = arith.index_cast %mul3A_280 : i32 to index
          %get3A_292 = tpu.vector_load %arg8[%get3A_290, %get3A_291] {strides = array<i32>} : memref<2x5120xf32, #tpu.memory_space<vmem>>, vector<16xf32>,
          %get3A_293 = arith.constant 1 : i32
          %get3A_294 = arith.index_cast %get3A_293 : i32 to index
          %get3A_295 = arith.index_cast %mul3A_280 : i32 to index
          %get3A_296 = tpu.vector_load %arg8[%get3A_294, %get3A_295] {strides = array<i32>} : memref<2x5120xf32, #tpu.memory_space<vmem>>, vector<16xf32>,
          %mul3A_297 = arith.mulf %get3A_284, %get3A_292 : vector<16xf32>
          %add3A_298 = arith.addf %add3A_238, %mul3A_297 : vector<16xf32>
          %mul3A_299 = arith.mulf %get3A_284, %get3A_296 : vector<16xf32>
          %add3A_300 = arith.addf %add3A_240, %mul3A_299 : vector<16xf32>
          %mul3A_301 = arith.mulf %get3A_288, %get3A_292 : vector<16xf32>
          %add3A_302 = arith.addf %add3A_242, %mul3A_301 : vector<16xf32>
          %mul3A_303 = arith.mulf %get3A_288, %get3A_296 : vector<16xf32>
          %add3A_304 = arith.addf %add3A_244, %mul3A_303 : vector<16xf32>
          %mul3A_305 = arith.constant 8 : i32
          %mul3A_306 = arith.muli %scan3A_147, %mul3A_305 : i32
          %add3A_307 = arith.constant 5 : i32
          %add3A_308 = arith.addi %mul3A_306, %add3A_307 : i32
          %mul3A_309 = arith.constant 16 : i32
          %mul3A_310 = arith.muli %add3A_308, %mul3A_309 : i32
          %get3A_311 = arith.constant 0 : i32
          %get3A_312 = arith.index_cast %get3A_311 : i32 to index
          %get3A_313 = arith.index_cast %mul3A_310 : i32 to index
          %get3A_314 = tpu.vector_load %arg6[%get3A_312, %get3A_313] {strides = array<i32>} : memref<2x5120xf32, #tpu.memory_space<vmem>>, vector<16xf32>,
          %get3A_315 = arith.constant 1 : i32
          %get3A_316 = arith.index_cast %get3A_315 : i32 to index
          %get3A_317 = arith.index_cast %mul3A_310 : i32 to index
          %get3A_318 = tpu.vector_load %arg6[%get3A_316, %get3A_317] {strides = array<i32>} : memref<2x5120xf32, #tpu.memory_space<vmem>>, vector<16xf32>,
          %get3A_319 = arith.constant 0 : i32
          %get3A_320 = arith.index_cast %get3A_319 : i32 to index
          %get3A_321 = arith.index_cast %mul3A_310 : i32 to index
          %get3A_322 = tpu.vector_load %arg8[%get3A_320, %get3A_321] {strides = array<i32>} : memref<2x5120xf32, #tpu.memory_space<vmem>>, vector<16xf32>,
          %get3A_323 = arith.constant 1 : i32
          %get3A_324 = arith.index_cast %get3A_323 : i32 to index
          %get3A_325 = arith.index_cast %mul3A_310 : i32 to index
          %get3A_326 = tpu.vector_load %arg8[%get3A_324, %get3A_325] {strides = array<i32>} : memref<2x5120xf32, #tpu.memory_space<vmem>>, vector<16xf32>,
          %mul3A_327 = arith.mulf %get3A_314, %get3A_322 : vector<16xf32>
          %add3A_328 = arith.addf %add3A_268, %mul3A_327 : vector<16xf32>
          %mul3A_329 = arith.mulf %get3A_314, %get3A_326 : vector<16xf32>
          %add3A_330 = arith.addf %add3A_270, %mul3A_329 : vector<16xf32>
          %mul3A_331 = arith.mulf %get3A_318, %get3A_322 : vector<16xf32>
          %add3A_332 = arith.addf %add3A_272, %mul3A_331 : vector<16xf32>
          %mul3A_333 = arith.mulf %get3A_318, %get3A_326 : vector<16xf32>
          %add3A_334 = arith.addf %add3A_274, %mul3A_333 : vector<16xf32>
          %mul3A_335 = arith.constant 8 : i32
          %mul3A_336 = arith.muli %scan3A_147, %mul3A_335 : i32
          %add3A_337 = arith.constant 6 : i32
          %add3A_338 = arith.addi %mul3A_336, %add3A_337 : i32
          %mul3A_339 = arith.constant 16 : i32
          %mul3A_340 = arith.muli %add3A_338, %mul3A_339 : i32
          %get3A_341 = arith.constant 0 : i32
          %get3A_342 = arith.index_cast %get3A_341 : i32 to index
          %get3A_343 = arith.index_cast %mul3A_340 : i32 to index
          %get3A_344 = tpu.vector_load %arg6[%get3A_342, %get3A_343] {strides = array<i32>} : memref<2x5120xf32, #tpu.memory_space<vmem>>, vector<16xf32>,
          %get3A_345 = arith.constant 1 : i32
          %get3A_346 = arith.index_cast %get3A_345 : i32 to index
          %get3A_347 = arith.index_cast %mul3A_340 : i32 to index
          %get3A_348 = tpu.vector_load %arg6[%get3A_346, %get3A_347] {strides = array<i32>} : memref<2x5120xf32, #tpu.memory_space<vmem>>, vector<16xf32>,
          %get3A_349 = arith.constant 0 : i32
          %get3A_350 = arith.index_cast %get3A_349 : i32 to index
          %get3A_351 = arith.index_cast %mul3A_340 : i32 to index
          %get3A_352 = tpu.vector_load %arg8[%get3A_350, %get3A_351] {strides = array<i32>} : memref<2x5120xf32, #tpu.memory_space<vmem>>, vector<16xf32>,
          %get3A_353 = arith.constant 1 : i32
          %get3A_354 = arith.index_cast %get3A_353 : i32 to index
          %get3A_355 = arith.index_cast %mul3A_340 : i32 to index
          %get3A_356 = tpu.vector_load %arg8[%get3A_354, %get3A_355] {strides = array<i32>} : memref<2x5120xf32, #tpu.memory_space<vmem>>, vector<16xf32>,
          %mul3A_357 = arith.mulf %get3A_344, %get3A_352 : vector<16xf32>
          %add3A_358 = arith.addf %add3A_298, %mul3A_357 : vector<16xf32>
          %mul3A_359 = arith.mulf %get3A_344, %get3A_356 : vector<16xf32>
          %add3A_360 = arith.addf %add3A_300, %mul3A_359 : vector<16xf32>
          %mul3A_361 = arith.mulf %get3A_348, %get3A_352 : vector<16xf32>
          %add3A_362 = arith.addf %add3A_302, %mul3A_361 : vector<16xf32>
          %mul3A_363 = arith.mulf %get3A_348, %get3A_356 : vector<16xf32>
          %add3A_364 = arith.addf %add3A_304, %mul3A_363 : vector<16xf32>
          %mul3A_365 = arith.constant 8 : i32
          %mul3A_366 = arith.muli %scan3A_147, %mul3A_365 : i32
          %add3A_367 = arith.constant 7 : i32
          %add3A_368 = arith.addi %mul3A_366, %add3A_367 : i32
          %mul3A_369 = arith.constant 16 : i32
          %mul3A_370 = arith.muli %add3A_368, %mul3A_369 : i32
          %get3A_371 = arith.constant 0 : i32
          %get3A_372 = arith.index_cast %get3A_371 : i32 to index
          %get3A_373 = arith.index_cast %mul3A_370 : i32 to index
          %get3A_374 = tpu.vector_load %arg6[%get3A_372, %get3A_373] {strides = array<i32>} : memref<2x5120xf32, #tpu.memory_space<vmem>>, vector<16xf32>,
          %get3A_375 = arith.constant 1 : i32
          %get3A_376 = arith.index_cast %get3A_375 : i32 to index
          %get3A_377 = arith.index_cast %mul3A_370 : i32 to index
          %get3A_378 = tpu.vector_load %arg6[%get3A_376, %get3A_377] {strides = array<i32>} : memref<2x5120xf32, #tpu.memory_space<vmem>>, vector<16xf32>,
          %get3A_379 = arith.constant 0 : i32
          %get3A_380 = arith.index_cast %get3A_379 : i32 to index
          %get3A_381 = arith.index_cast %mul3A_370 : i32 to index
          %get3A_382 = tpu.vector_load %arg8[%get3A_380, %get3A_381] {strides = array<i32>} : memref<2x5120xf32, #tpu.memory_space<vmem>>, vector<16xf32>,
          %get3A_383 = arith.constant 1 : i32
          %get3A_384 = arith.index_cast %get3A_383 : i32 to index
          %get3A_385 = arith.index_cast %mul3A_370 : i32 to index
          %get3A_386 = tpu.vector_load %arg8[%get3A_384, %get3A_385] {strides = array<i32>} : memref<2x5120xf32, #tpu.memory_space<vmem>>, vector<16xf32>,
          %mul3A_387 = arith.mulf %get3A_374, %get3A_382 : vector<16xf32>
          %add3A_388 = arith.addf %add3A_328, %mul3A_387 : vector<16xf32>
          %mul3A_389 = arith.mulf %get3A_374, %get3A_386 : vector<16xf32>
          %add3A_390 = arith.addf %add3A_330, %mul3A_389 : vector<16xf32>
          %mul3A_391 = arith.mulf %get3A_378, %get3A_382 : vector<16xf32>
          %add3A_392 = arith.addf %add3A_332, %mul3A_391 : vector<16xf32>
          %mul3A_393 = arith.mulf %get3A_378, %get3A_386 : vector<16xf32>
          %add3A_394 = arith.addf %add3A_334, %mul3A_393 : vector<16xf32>
          scf.yield %add3A_358, %add3A_360, %add3A_362, %add3A_364, %add3A_388, %add3A_390, %add3A_392, %add3A_394 : vector<16xf32>, vector<16xf32>, vector<16xf32>, vector<16xf32>, vector<16xf32>, vector<16xf32>, vector<16xf32>, vector<16xf32>
        }
        %scan3A_146 = arith.constant 40 : i32
        scf.yield %scan3A_145#0, %scan3A_145#1, %scan3A_145#2, %scan3A_145#3, %scan3A_145#4, %scan3A_145#5, %scan3A_145#6, %scan3A_145#7 : vector<16xf32>, vector<16xf32>, vector<16xf32>, vector<16xf32>, vector<16xf32>, vector<16xf32>, vector<16xf32>, vector<16xf32>
      } else {
        scf.yield %scan3A_116#0, %scan3A_116#1, %scan3A_116#2, %scan3A_116#3, %scan3A_116#4, %scan3A_116#5, %scan3A_116#6, %scan3A_116#7 : vector<16xf32>, vector<16xf32>, vector<16xf32>, vector<16xf32>, vector<16xf32>, vector<16xf32>, vector<16xf32>, vector<16xf32>
      }
      scf.yield %cond3A_128#0, %cond3A_128#1, %cond3A_128#2, %cond3A_128#3, %cond3A_128#4, %cond3A_128#5, %cond3A_128#6, %cond3A_128#7 : vector<16xf32>, vector<16xf32>, vector<16xf32>, vector<16xf32>, vector<16xf32>, vector<16xf32>, vector<16xf32>, vector<16xf32>
    }
    %add3A_73 = arith.addf %while3A_72#0, %while3A_72#4 : vector<16xf32>
    %swap3A = arith.constant 0 : index
    %swap3A_74 = tpu.vector_load %arg9[%swap3A] {strides = array<i32>} : memref<64xf32, #tpu.memory_space<vmem>>, vector<16xf32>,
    tpu.vector_store %arg9[%swap3A], %add3A_73 {strides = array<i32>} : memref<64xf32, #tpu.memory_space<vmem>>, vector<16xf32>,
    %add3A_75 = arith.addf %while3A_72#1, %while3A_72#5 : vector<16xf32>
    %swap3A_76 = arith.constant 16 : index
    %swap3A_77 = tpu.vector_load %arg9[%swap3A_76] {strides = array<i32>} : memref<64xf32, #tpu.memory_space<vmem>>, vector<16xf32>,
    tpu.vector_store %arg9[%swap3A_76], %add3A_75 {strides = array<i32>} : memref<64xf32, #tpu.memory_space<vmem>>, vector<16xf32>,
    %add3A_78 = arith.addf %while3A_72#2, %while3A_72#6 : vector<16xf32>
    %swap3A_79 = arith.constant 32 : index
    %swap3A_80 = tpu.vector_load %arg9[%swap3A_79] {strides = array<i32>} : memref<64xf32, #tpu.memory_space<vmem>>, vector<16xf32>,
    tpu.vector_store %arg9[%swap3A_79], %add3A_78 {strides = array<i32>} : memref<64xf32, #tpu.memory_space<vmem>>, vector<16xf32>,
    %add3A_81 = arith.addf %while3A_72#3, %while3A_72#7 : vector<16xf32>
    %swap3A_82 = arith.constant 48 : index
    %swap3A_83 = tpu.vector_load %arg9[%swap3A_82] {strides = array<i32>} : memref<64xf32, #tpu.memory_space<vmem>>, vector<16xf32>,
    tpu.vector_store %arg9[%swap3A_82], %add3A_81 {strides = array<i32>} : memref<64xf32, #tpu.memory_space<vmem>>, vector<16xf32>,
    %mul3A_84 = arith.constant 4 : i32
    %mul3A_85 = arith.muli %add3A, %mul3A_84 : i32
    %mul3A_86 = arith.constant 16 : i32
    %mul3A_87 = arith.muli %mul3A_85, %mul3A_86 : i32
    "tpu.region"() ({
      %run_scoped3A = tpu.sem_alloc : memref<!tpu.dma_semaphore, #tpu.memory_space<semaphore_mem>>
      %dma_start3A_88 = tpu.memref_slice %arg4[%mul3A_87] : memref<2048xf32, #tpu.memory_space<hbm>> -> memref<64xf32, #tpu.memory_space<hbm>>
      %dma_start3A_89 = tpu.memref_slice %arg4[%mul3A_87] : memref<2048xf32, #tpu.memory_space<hbm>> -> memref<64xf32, #tpu.memory_space<hbm>>
      tpu.enqueue_dma source(%arg9 : memref<64xf32, #tpu.memory_space<vmem>>) target(%dma_start3A_89 : memref<64xf32, #tpu.memory_space<hbm>>) target_semaphore(%run_scoped3A : memref<!tpu.dma_semaphore, #tpu.memory_space<semaphore_mem>>)
      %dma_wait3A = tpu.memref_slice %arg4[%mul3A_87] : memref<2048xf32, #tpu.memory_space<hbm>> -> memref<64xf32, #tpu.memory_space<hbm>>
      %dma_wait3A_90 = tpu.memref_slice %arg4[%mul3A_87] : memref<2048xf32, #tpu.memory_space<hbm>> -> memref<64xf32, #tpu.memory_space<hbm>>
      tpu.wait_dma2 semaphore(%run_scoped3A : memref<!tpu.dma_semaphore, #tpu.memory_space<semaphore_mem>>) src(%arg9 : memref<64xf32, #tpu.memory_space<vmem>>) dst(%dma_wait3A_90 : memref<64xf32, #tpu.memory_space<hbm>>)
      tpu.yield
    }) : () -> ()
    return
  }
}

module attributes {stable_mosaic.version = 14 : i64} {
  func.func @_tc_block(%arg0: i32, %arg1: memref<1024x128xf32, #tpu.memory_space<vmem>>, %arg2: memref<1024x128xf32, #tpu.memory_space<vmem>>, %arg3: memref<2x8x128xf32, #tpu.memory_space<vmem>>) attributes {dimension_semantics = [#tpu.dimension_semantics<arbitrary>], iteration_bounds = array<i64: 35>, scalar_prefetch = 0 : i64, scratch_operands = 0 : i64, tpu.core_type = #tpu.core_type<tc>, window_params = [{transform_indices = @transform_0, window_bounds = array<i64: 1024, 128>}, {transform_indices = @transform_1, window_bounds = array<i64: 1024, 128>}, {pipeline_mode = #tpu.pipeline_mode<synchronous>, transform_indices = @transform_2, window_bounds = array<i64: 2, 8, 128>}]} {
    %eq3A = arith.constant 0 : i32
    %eq3A_0 = arith.cmpi eq, %arg0, %eq3A : i32
    %convert_element_type3A = arith.extui %eq3A_0 : i1 to i32
    %cond3A = arith.constant 0 : i32
    %cond3A_1 = arith.cmpi ne, %convert_element_type3A, %cond3A : i32
    scf.if %cond3A_1 {
      %broadcast_in_dim3A_56 = arith.constant 0.000000e+00 : f32
      %broadcast_in_dim3A_57 = vector.broadcast %broadcast_in_dim3A_56 : f32 to vector<2x8x128xf32>
      %swap3A_58 = arith.constant 0 : index
      %swap3A_59 = arith.constant 0 : index
      %swap3A_60 = arith.constant 0 : index
      %swap3A_61 = vector.load %arg3[%swap3A_58, %swap3A_59, %swap3A_60] : memref<2x8x128xf32, #tpu.memory_space<vmem>>, vector<2x8x128xf32>
      tpu.vector_store %arg3[%swap3A_58, %swap3A_59, %swap3A_60], %broadcast_in_dim3A_57 {strides = array<i32>} : memref<2x8x128xf32, #tpu.memory_space<vmem>>, vector<2x8x128xf32>,
    } else {
    }
    %iota3A = tpu.iota {dimensions = array<i32: 0>} : vector<8x128xi32>
    %jit3A = arith.constant 2 : i32
    %eq3A_2 = arith.constant 0 : i32
    %eq3A_3 = arith.cmpi eq, %jit3A, %eq3A_2 : i32
    %jit3A_4 = arith.constant 1 : i32
    %select_n3A = arith.select %eq3A_3, %jit3A_4, %jit3A : i32
    %rem3A = vector.broadcast %select_n3A : i32 to vector<8x128xi32>
    %rem3A_5 = arith.remsi %iota3A, %rem3A : vector<8x128xi32>
    %ne3A = arith.constant 0 : i32
    %ne3A_6 = vector.broadcast %ne3A : i32 to vector<8x128xi32>
    %ne3A_7 = arith.cmpi ne, %rem3A_5, %ne3A_6 : vector<8x128xi32>
    %lt3A = arith.constant 0 : i32
    %lt3A_8 = vector.broadcast %lt3A : i32 to vector<8x128xi32>
    %lt3A_9 = arith.cmpi slt, %rem3A_5, %lt3A_8 : vector<8x128xi32>
    %lt3A_10 = arith.constant 0 : i32
    %lt3A_11 = arith.cmpi slt, %select_n3A, %lt3A_10 : i32
    %ne3A_12 = vector.broadcast %lt3A_11 : i1 to vector<8x128xi1>
    %ne3A_13 = vector.broadcast %ne3A_12 : vector<8x128xi1> to vector<8x128xi1>
    %ne3A_14 = arith.xori %lt3A_9, %ne3A_13 : vector<8x128xi1>
    %and3A = arith.andi %ne3A_14, %ne3A_7 : vector<8x128xi1>
    %add3A = vector.broadcast %select_n3A : i32 to vector<8x128xi32>
    %add3A_15 = arith.addi %rem3A_5, %add3A : vector<8x128xi32>
    %select_n3A_16 = arith.select %and3A, %add3A_15, %rem3A_5 : vector<8x128xi1>, vector<8x128xi32>
    %eq3A_17 = arith.constant 0 : i32
    %eq3A_18 = vector.broadcast %eq3A_17 : i32 to vector<8x128xi32>
    %eq3A_19 = arith.cmpi eq, %select_n3A_16, %eq3A_18 : vector<8x128xi32>
    %broadcast_in_dim3A = arith.constant 0.000000e+00 : f32
    %broadcast_in_dim3A_20 = vector.broadcast %broadcast_in_dim3A : f32 to vector<8x128xf32>
    %scan3A = arith.constant 0 : i32
    %scan3A_21 = arith.constant 16 : i32
    %scan3A_22 = arith.addi %scan3A, %scan3A_21 : i32
    %scan3A_23 = arith.constant 1 : i32
    %scan3A_24:8 = scf.for %scan3A_56 = %scan3A to %scan3A_22 step %scan3A_23 iter_args(%scan3A_57 = %broadcast_in_dim3A_20, %scan3A_58 = %broadcast_in_dim3A_20, %scan3A_59 = %broadcast_in_dim3A_20, %scan3A_60 = %broadcast_in_dim3A_20, %scan3A_61 = %broadcast_in_dim3A_20, %scan3A_62 = %broadcast_in_dim3A_20, %scan3A_63 = %broadcast_in_dim3A_20, %scan3A_64 = %broadcast_in_dim3A_20) -> (vector<8x128xf32>, vector<8x128xf32>, vector<8x128xf32>, vector<8x128xf32>, vector<8x128xf32>, vector<8x128xf32>, vector<8x128xf32>, vector<8x128xf32>)  : i32 {
      %mul3A = arith.constant 8 : i32
      %mul3A_65 = arith.muli %scan3A_56, %mul3A : i32
      %add3A_66 = arith.constant 0 : i32
      %add3A_67 = arith.addi %mul3A_65, %add3A_66 : i32
      %mul3A_68 = arith.constant 8 : i32
      %mul3A_69 = arith.muli %add3A_67, %mul3A_68 : i32
      %get3A_70 = arith.index_cast %mul3A_69 : i32 to index
      %get3A_71 = arith.constant 0 : index
      %get3A_72 = vector.load %arg1[%get3A_70, %get3A_71] : memref<1024x128xf32, #tpu.memory_space<vmem>>, vector<8x128xf32>
      %get3A_73 = arith.index_cast %mul3A_69 : i32 to index
      %get3A_74 = arith.constant 0 : index
      %get3A_75 = vector.load %arg2[%get3A_73, %get3A_74] : memref<1024x128xf32, #tpu.memory_space<vmem>>, vector<8x128xf32>
      %roll3A = arith.constant 7 : i32
      %roll3A_76 = tpu.dynamic_rotate %get3A_75 by %roll3A dim 0 : vector<8x128xf32>, i32 -> vector<8x128xf32>
      %roll3A_77 = arith.constant 1 : i32
      %roll3A_78 = tpu.dynamic_rotate %get3A_75 by %roll3A_77 dim 0 : vector<8x128xf32>, i32 -> vector<8x128xf32>
      %select_n3A_79 = arith.select %eq3A_19, %roll3A_76, %roll3A_78 : vector<8x128xi1>, vector<8x128xf32>
      %mul3A_80 = arith.mulf %get3A_72, %get3A_75 : vector<8x128xf32>
      %add3A_81 = arith.addf %scan3A_57, %mul3A_80 : vector<8x128xf32>
      %mul3A_82 = arith.mulf %get3A_72, %select_n3A_79 : vector<8x128xf32>
      %add3A_83 = arith.addf %scan3A_61, %mul3A_82 : vector<8x128xf32>
      %mul3A_84 = arith.constant 8 : i32
      %mul3A_85 = arith.muli %scan3A_56, %mul3A_84 : i32
      %add3A_86 = arith.constant 1 : i32
      %add3A_87 = arith.addi %mul3A_85, %add3A_86 : i32
      %mul3A_88 = arith.constant 8 : i32
      %mul3A_89 = arith.muli %add3A_87, %mul3A_88 : i32
      %get3A_90 = arith.index_cast %mul3A_89 : i32 to index
      %get3A_91 = arith.constant 0 : index
      %get3A_92 = vector.load %arg1[%get3A_90, %get3A_91] : memref<1024x128xf32, #tpu.memory_space<vmem>>, vector<8x128xf32>
      %get3A_93 = arith.index_cast %mul3A_89 : i32 to index
      %get3A_94 = arith.constant 0 : index
      %get3A_95 = vector.load %arg2[%get3A_93, %get3A_94] : memref<1024x128xf32, #tpu.memory_space<vmem>>, vector<8x128xf32>
      %roll3A_96 = arith.constant 7 : i32
      %roll3A_97 = tpu.dynamic_rotate %get3A_95 by %roll3A_96 dim 0 : vector<8x128xf32>, i32 -> vector<8x128xf32>
      %roll3A_98 = arith.constant 1 : i32
      %roll3A_99 = tpu.dynamic_rotate %get3A_95 by %roll3A_98 dim 0 : vector<8x128xf32>, i32 -> vector<8x128xf32>
      %select_n3A_100 = arith.select %eq3A_19, %roll3A_97, %roll3A_99 : vector<8x128xi1>, vector<8x128xf32>
      %mul3A_101 = arith.mulf %get3A_92, %get3A_95 : vector<8x128xf32>
      %add3A_102 = arith.addf %scan3A_58, %mul3A_101 : vector<8x128xf32>
      %mul3A_103 = arith.mulf %get3A_92, %select_n3A_100 : vector<8x128xf32>
      %add3A_104 = arith.addf %scan3A_62, %mul3A_103 : vector<8x128xf32>
      %mul3A_105 = arith.constant 8 : i32
      %mul3A_106 = arith.muli %scan3A_56, %mul3A_105 : i32
      %add3A_107 = arith.constant 2 : i32
      %add3A_108 = arith.addi %mul3A_106, %add3A_107 : i32
      %mul3A_109 = arith.constant 8 : i32
      %mul3A_110 = arith.muli %add3A_108, %mul3A_109 : i32
      %get3A_111 = arith.index_cast %mul3A_110 : i32 to index
      %get3A_112 = arith.constant 0 : index
      %get3A_113 = vector.load %arg1[%get3A_111, %get3A_112] : memref<1024x128xf32, #tpu.memory_space<vmem>>, vector<8x128xf32>
      %get3A_114 = arith.index_cast %mul3A_110 : i32 to index
      %get3A_115 = arith.constant 0 : index
      %get3A_116 = vector.load %arg2[%get3A_114, %get3A_115] : memref<1024x128xf32, #tpu.memory_space<vmem>>, vector<8x128xf32>
      %roll3A_117 = arith.constant 7 : i32
      %roll3A_118 = tpu.dynamic_rotate %get3A_116 by %roll3A_117 dim 0 : vector<8x128xf32>, i32 -> vector<8x128xf32>
      %roll3A_119 = arith.constant 1 : i32
      %roll3A_120 = tpu.dynamic_rotate %get3A_116 by %roll3A_119 dim 0 : vector<8x128xf32>, i32 -> vector<8x128xf32>
      %select_n3A_121 = arith.select %eq3A_19, %roll3A_118, %roll3A_120 : vector<8x128xi1>, vector<8x128xf32>
      %mul3A_122 = arith.mulf %get3A_113, %get3A_116 : vector<8x128xf32>
      %add3A_123 = arith.addf %scan3A_59, %mul3A_122 : vector<8x128xf32>
      %mul3A_124 = arith.mulf %get3A_113, %select_n3A_121 : vector<8x128xf32>
      %add3A_125 = arith.addf %scan3A_63, %mul3A_124 : vector<8x128xf32>
      %mul3A_126 = arith.constant 8 : i32
      %mul3A_127 = arith.muli %scan3A_56, %mul3A_126 : i32
      %add3A_128 = arith.constant 3 : i32
      %add3A_129 = arith.addi %mul3A_127, %add3A_128 : i32
      %mul3A_130 = arith.constant 8 : i32
      %mul3A_131 = arith.muli %add3A_129, %mul3A_130 : i32
      %get3A_132 = arith.index_cast %mul3A_131 : i32 to index
      %get3A_133 = arith.constant 0 : index
      %get3A_134 = vector.load %arg1[%get3A_132, %get3A_133] : memref<1024x128xf32, #tpu.memory_space<vmem>>, vector<8x128xf32>
      %get3A_135 = arith.index_cast %mul3A_131 : i32 to index
      %get3A_136 = arith.constant 0 : index
      %get3A_137 = vector.load %arg2[%get3A_135, %get3A_136] : memref<1024x128xf32, #tpu.memory_space<vmem>>, vector<8x128xf32>
      %roll3A_138 = arith.constant 7 : i32
      %roll3A_139 = tpu.dynamic_rotate %get3A_137 by %roll3A_138 dim 0 : vector<8x128xf32>, i32 -> vector<8x128xf32>
      %roll3A_140 = arith.constant 1 : i32
      %roll3A_141 = tpu.dynamic_rotate %get3A_137 by %roll3A_140 dim 0 : vector<8x128xf32>, i32 -> vector<8x128xf32>
      %select_n3A_142 = arith.select %eq3A_19, %roll3A_139, %roll3A_141 : vector<8x128xi1>, vector<8x128xf32>
      %mul3A_143 = arith.mulf %get3A_134, %get3A_137 : vector<8x128xf32>
      %add3A_144 = arith.addf %scan3A_60, %mul3A_143 : vector<8x128xf32>
      %mul3A_145 = arith.mulf %get3A_134, %select_n3A_142 : vector<8x128xf32>
      %add3A_146 = arith.addf %scan3A_64, %mul3A_145 : vector<8x128xf32>
      %mul3A_147 = arith.constant 8 : i32
      %mul3A_148 = arith.muli %scan3A_56, %mul3A_147 : i32
      %add3A_149 = arith.constant 4 : i32
      %add3A_150 = arith.addi %mul3A_148, %add3A_149 : i32
      %mul3A_151 = arith.constant 8 : i32
      %mul3A_152 = arith.muli %add3A_150, %mul3A_151 : i32
      %get3A_153 = arith.index_cast %mul3A_152 : i32 to index
      %get3A_154 = arith.constant 0 : index
      %get3A_155 = vector.load %arg1[%get3A_153, %get3A_154] : memref<1024x128xf32, #tpu.memory_space<vmem>>, vector<8x128xf32>
      %get3A_156 = arith.index_cast %mul3A_152 : i32 to index
      %get3A_157 = arith.constant 0 : index
      %get3A_158 = vector.load %arg2[%get3A_156, %get3A_157] : memref<1024x128xf32, #tpu.memory_space<vmem>>, vector<8x128xf32>
      %roll3A_159 = arith.constant 7 : i32
      %roll3A_160 = tpu.dynamic_rotate %get3A_158 by %roll3A_159 dim 0 : vector<8x128xf32>, i32 -> vector<8x128xf32>
      %roll3A_161 = arith.constant 1 : i32
      %roll3A_162 = tpu.dynamic_rotate %get3A_158 by %roll3A_161 dim 0 : vector<8x128xf32>, i32 -> vector<8x128xf32>
      %select_n3A_163 = arith.select %eq3A_19, %roll3A_160, %roll3A_162 : vector<8x128xi1>, vector<8x128xf32>
      %mul3A_164 = arith.mulf %get3A_155, %get3A_158 : vector<8x128xf32>
      %add3A_165 = arith.addf %add3A_81, %mul3A_164 : vector<8x128xf32>
      %mul3A_166 = arith.mulf %get3A_155, %select_n3A_163 : vector<8x128xf32>
      %add3A_167 = arith.addf %add3A_83, %mul3A_166 : vector<8x128xf32>
      %mul3A_168 = arith.constant 8 : i32
      %mul3A_169 = arith.muli %scan3A_56, %mul3A_168 : i32
      %add3A_170 = arith.constant 5 : i32
      %add3A_171 = arith.addi %mul3A_169, %add3A_170 : i32
      %mul3A_172 = arith.constant 8 : i32
      %mul3A_173 = arith.muli %add3A_171, %mul3A_172 : i32
      %get3A_174 = arith.index_cast %mul3A_173 : i32 to index
      %get3A_175 = arith.constant 0 : index
      %get3A_176 = vector.load %arg1[%get3A_174, %get3A_175] : memref<1024x128xf32, #tpu.memory_space<vmem>>, vector<8x128xf32>
      %get3A_177 = arith.index_cast %mul3A_173 : i32 to index
      %get3A_178 = arith.constant 0 : index
      %get3A_179 = vector.load %arg2[%get3A_177, %get3A_178] : memref<1024x128xf32, #tpu.memory_space<vmem>>, vector<8x128xf32>
      %roll3A_180 = arith.constant 7 : i32
      %roll3A_181 = tpu.dynamic_rotate %get3A_179 by %roll3A_180 dim 0 : vector<8x128xf32>, i32 -> vector<8x128xf32>
      %roll3A_182 = arith.constant 1 : i32
      %roll3A_183 = tpu.dynamic_rotate %get3A_179 by %roll3A_182 dim 0 : vector<8x128xf32>, i32 -> vector<8x128xf32>
      %select_n3A_184 = arith.select %eq3A_19, %roll3A_181, %roll3A_183 : vector<8x128xi1>, vector<8x128xf32>
      %mul3A_185 = arith.mulf %get3A_176, %get3A_179 : vector<8x128xf32>
      %add3A_186 = arith.addf %add3A_102, %mul3A_185 : vector<8x128xf32>
      %mul3A_187 = arith.mulf %get3A_176, %select_n3A_184 : vector<8x128xf32>
      %add3A_188 = arith.addf %add3A_104, %mul3A_187 : vector<8x128xf32>
      %mul3A_189 = arith.constant 8 : i32
      %mul3A_190 = arith.muli %scan3A_56, %mul3A_189 : i32
      %add3A_191 = arith.constant 6 : i32
      %add3A_192 = arith.addi %mul3A_190, %add3A_191 : i32
      %mul3A_193 = arith.constant 8 : i32
      %mul3A_194 = arith.muli %add3A_192, %mul3A_193 : i32
      %get3A_195 = arith.index_cast %mul3A_194 : i32 to index
      %get3A_196 = arith.constant 0 : index
      %get3A_197 = vector.load %arg1[%get3A_195, %get3A_196] : memref<1024x128xf32, #tpu.memory_space<vmem>>, vector<8x128xf32>
      %get3A_198 = arith.index_cast %mul3A_194 : i32 to index
      %get3A_199 = arith.constant 0 : index
      %get3A_200 = vector.load %arg2[%get3A_198, %get3A_199] : memref<1024x128xf32, #tpu.memory_space<vmem>>, vector<8x128xf32>
      %roll3A_201 = arith.constant 7 : i32
      %roll3A_202 = tpu.dynamic_rotate %get3A_200 by %roll3A_201 dim 0 : vector<8x128xf32>, i32 -> vector<8x128xf32>
      %roll3A_203 = arith.constant 1 : i32
      %roll3A_204 = tpu.dynamic_rotate %get3A_200 by %roll3A_203 dim 0 : vector<8x128xf32>, i32 -> vector<8x128xf32>
      %select_n3A_205 = arith.select %eq3A_19, %roll3A_202, %roll3A_204 : vector<8x128xi1>, vector<8x128xf32>
      %mul3A_206 = arith.mulf %get3A_197, %get3A_200 : vector<8x128xf32>
      %add3A_207 = arith.addf %add3A_123, %mul3A_206 : vector<8x128xf32>
      %mul3A_208 = arith.mulf %get3A_197, %select_n3A_205 : vector<8x128xf32>
      %add3A_209 = arith.addf %add3A_125, %mul3A_208 : vector<8x128xf32>
      %mul3A_210 = arith.constant 8 : i32
      %mul3A_211 = arith.muli %scan3A_56, %mul3A_210 : i32
      %add3A_212 = arith.constant 7 : i32
      %add3A_213 = arith.addi %mul3A_211, %add3A_212 : i32
      %mul3A_214 = arith.constant 8 : i32
      %mul3A_215 = arith.muli %add3A_213, %mul3A_214 : i32
      %get3A_216 = arith.index_cast %mul3A_215 : i32 to index
      %get3A_217 = arith.constant 0 : index
      %get3A_218 = vector.load %arg1[%get3A_216, %get3A_217] : memref<1024x128xf32, #tpu.memory_space<vmem>>, vector<8x128xf32>
      %get3A_219 = arith.index_cast %mul3A_215 : i32 to index
      %get3A_220 = arith.constant 0 : index
      %get3A_221 = vector.load %arg2[%get3A_219, %get3A_220] : memref<1024x128xf32, #tpu.memory_space<vmem>>, vector<8x128xf32>
      %roll3A_222 = arith.constant 7 : i32
      %roll3A_223 = tpu.dynamic_rotate %get3A_221 by %roll3A_222 dim 0 : vector<8x128xf32>, i32 -> vector<8x128xf32>
      %roll3A_224 = arith.constant 1 : i32
      %roll3A_225 = tpu.dynamic_rotate %get3A_221 by %roll3A_224 dim 0 : vector<8x128xf32>, i32 -> vector<8x128xf32>
      %select_n3A_226 = arith.select %eq3A_19, %roll3A_223, %roll3A_225 : vector<8x128xi1>, vector<8x128xf32>
      %mul3A_227 = arith.mulf %get3A_218, %get3A_221 : vector<8x128xf32>
      %add3A_228 = arith.addf %add3A_144, %mul3A_227 : vector<8x128xf32>
      %mul3A_229 = arith.mulf %get3A_218, %select_n3A_226 : vector<8x128xf32>
      %add3A_230 = arith.addf %add3A_146, %mul3A_229 : vector<8x128xf32>
      scf.yield %add3A_165, %add3A_186, %add3A_207, %add3A_228, %add3A_167, %add3A_188, %add3A_209, %add3A_230 : vector<8x128xf32>, vector<8x128xf32>, vector<8x128xf32>, vector<8x128xf32>, vector<8x128xf32>, vector<8x128xf32>, vector<8x128xf32>, vector<8x128xf32>
    }
    %scan3A_25 = arith.constant 16 : i32
    %get3A = arith.constant 0 : index
    %get3A_26 = arith.constant 0 : index
    %get3A_27 = arith.constant 0 : index
    %get3A_28 = vector.load %arg3[%get3A, %get3A_26, %get3A_27] : memref<2x8x128xf32, #tpu.memory_space<vmem>>, vector<1x8x128xf32>
    %get3A_29 = vector.shape_cast %get3A_28 : vector<1x8x128xf32> to vector<8x128xf32>
    %add3A_30 = arith.addf %broadcast_in_dim3A_20, %scan3A_24#0 : vector<8x128xf32>
    %add3A_31 = arith.addf %add3A_30, %scan3A_24#1 : vector<8x128xf32>
    %add3A_32 = arith.addf %add3A_31, %scan3A_24#2 : vector<8x128xf32>
    %add3A_33 = arith.addf %add3A_32, %scan3A_24#3 : vector<8x128xf32>
    %add3A_34 = arith.addf %get3A_29, %add3A_33 : vector<8x128xf32>
    %swap3A = arith.constant 0 : index
    %swap3A_35 = arith.constant 0 : index
    %swap3A_36 = arith.constant 0 : index
    %swap3A_37 = vector.load %arg3[%swap3A, %swap3A_35, %swap3A_36] : memref<2x8x128xf32, #tpu.memory_space<vmem>>, vector<1x8x128xf32>
    %swap3A_38 = vector.shape_cast %swap3A_37 : vector<1x8x128xf32> to vector<8x128xf32>
    %swap3A_39 = vector.shape_cast %add3A_34 : vector<8x128xf32> to vector<1x8x128xf32>
    tpu.vector_store %arg3[%swap3A, %swap3A_35, %swap3A_36], %swap3A_39 {strides = array<i32>} : memref<2x8x128xf32, #tpu.memory_space<vmem>>, vector<1x8x128xf32>,
    %get3A_40 = arith.constant 1 : index
    %get3A_41 = arith.constant 0 : index
    %get3A_42 = arith.constant 0 : index
    %get3A_43 = vector.load %arg3[%get3A_40, %get3A_41, %get3A_42] : memref<2x8x128xf32, #tpu.memory_space<vmem>>, vector<1x8x128xf32>
    %get3A_44 = vector.shape_cast %get3A_43 : vector<1x8x128xf32> to vector<8x128xf32>
    %add3A_45 = arith.addf %broadcast_in_dim3A_20, %scan3A_24#4 : vector<8x128xf32>
    %add3A_46 = arith.addf %add3A_45, %scan3A_24#5 : vector<8x128xf32>
    %add3A_47 = arith.addf %add3A_46, %scan3A_24#6 : vector<8x128xf32>
    %add3A_48 = arith.addf %add3A_47, %scan3A_24#7 : vector<8x128xf32>
    %add3A_49 = arith.addf %get3A_44, %add3A_48 : vector<8x128xf32>
    %swap3A_50 = arith.constant 1 : index
    %swap3A_51 = arith.constant 0 : index
    %swap3A_52 = arith.constant 0 : index
    %swap3A_53 = vector.load %arg3[%swap3A_50, %swap3A_51, %swap3A_52] : memref<2x8x128xf32, #tpu.memory_space<vmem>>, vector<1x8x128xf32>
    %swap3A_54 = vector.shape_cast %swap3A_53 : vector<1x8x128xf32> to vector<8x128xf32>
    %swap3A_55 = vector.shape_cast %add3A_49 : vector<8x128xf32> to vector<1x8x128xf32>
    tpu.vector_store %arg3[%swap3A_50, %swap3A_51, %swap3A_52], %swap3A_55 {strides = array<i32>} : memref<2x8x128xf32, #tpu.memory_space<vmem>>, vector<1x8x128xf32>,
    return
  }
  func.func @transform_0(%arg0: i32) -> (i32, i32) {
    %c0_i32 = arith.constant 0 : i32
    %c0_i32_0 = arith.constant 0 : i32
    return %arg0, %c0_i32 : i32, i32
  }
  func.func @transform_1(%arg0: i32) -> (i32, i32) {
    %c0_i32 = arith.constant 0 : i32
    %c0_i32_0 = arith.constant 0 : i32
    return %arg0, %c0_i32 : i32, i32
  }
  func.func @transform_2(%arg0: i32) -> (i32, i32, i32) {
    %c0_i32 = arith.constant 0 : i32
    %c0_i32_0 = arith.constant 0 : i32
    %c0_i32_1 = arith.constant 0 : i32
    %c0_i32_2 = arith.constant 0 : i32
    return %c0_i32, %c0_i32_0, %c0_i32_1 : i32, i32, i32
  }
}

</mosaic_0001>

<sc_bundles>
// kernel: kernel.4.cloned.1.call-start
scs
__scs_entry_jumppad:
0x0: {  	(pc) =	sbr.rel $0x88, $3  }
0x1: {  	(tag) =	ssettag $0x0;
	lr =	simm.s32 $0x1  }
0x2: {  	[smem:$0x3F9E] =	sst lr;
	_ =	strace $0xD0000000  }
0x3: {  	_ = 	snop  }
0x4: {  	_ = 	snop  }
0x5: {  	_ = 	snop  }
0x6: {  	_ = 	snop  }
0x7: {  	_ = 	snop  }
__scs_overlays_trampoline_lowered:
0x8: {  	[smem:$0x3FAD] =	sst s0  }
0x9: {  	[smem:$0x3FAE] =	sst s1  }
0xa: {  	[smem:$0x3FAF] =	sst s2  }
0xb: {  	[smem:$0x3FB0] =	sst s3  }
0xc: {  	[smem:$0x3FB1] =	sst s4  }
0xd: {  	[smem:$0x3FB2] =	sst s5  }
0xe: {  	[smem:$0x3FB3] =	sst s6  }
0xf: {  	[smem:$0x3FB4] =	sst s7  }
0x10: {  	[smem:$0x3FB5] =	sst s8  }
0x11: {  	[smem:$0x3FB6] =	sst s9;
	s0 =	simm.s32 @!p0 $0x0  }
0x12: {  	s1 =	sld [smem:$0x3F9C];
	s0 =	simm.s32 @p0 $0x1  }
0x13: {  	[smem:$0x3FB7] =	sst s0;
	s0 =	simm.s32 @!p1 $0x0  }
0x14: {  	s2 =	sld [smem:$0x3F9B];
	s0 =	simm.s32 @p1 $0x1  }
0x15: {  	[smem:$0x3FB8] =	sst s0;
	s0 =	simm.s32 @!p2 $0x0  }
0x16: {  	s3 =	sld [smem:$0x3FDB];
	s0 =	simm.s32 @p2 $0x1  }
0x17: {  	s4 =	simm.s32 $0x1BF5;
	[smem:$0x3FBA] =	sst s0  }
0x18: {  	s0 =	sld [smem:$0x3F9D];
	_ =	swait.ge [sflag:s4], $0x0  }
0x19: {  	s7 =	sld [smem:$0x3F9E]  }
0x1a: {  	s8 =	sadd.s32 $0xFFFFE003, lr  }
0x1b: {  	s9 =	sadd.s32 $0xFFFFFEF7, lr;
	s5 =	simm.s32 $0xFFFFFFFF;
	p2 =	slt.u32 s8, $0xFFFFF086  }
0x1c: {  	p1 =	slt.u32 s9, $0xF7A;
	s5 =	simm.s32 @!p2 $0x0  }
0x1d: {  	s5 =	simm.s32 @p1 $0x1;
	p0 =	seq.s32 s7, s2  }
0x1e: {  	s7 =	smul.u32 @!p0 $0xF7A, s2;
	p2 =	seq.s32 @!p0 s5, $0x0  }
0x1f: {  	s9 =	smul.u32 $0xF7A, s1;
	s8 =	simm.s32 @!p0 $0x1BF5;
	p2 =	por !p2, p0  }
0x20: {  	[sflag:s8] =	ssyncset.s32 @!p0 $0xFFFFF086;
	s6 =	sadd.s32 @!p0 s3, s7;
	s7 =	simm.s32 @!p0 $0x108  }
0x21: {  	s3 =	sadd.s32 s3, s9;
	s6 =	sadd.s32 @!p0 $0x88, s6;
	s7 =	simm.s32 @p2 $0x1082  }
0x22: {  	[simem:s7], [sflag:s8] =	dma.local @!p0 [hbm:s6], $0xF7A  }
0x23: {  	s9 =	sor.u32 $0xD0000000, s2;
	s6 =	simm.s32 $0x108;
	_ =	swait.ge @!p0 [sflag:s8], $0x0  }
0x24: {  	s3 =	sadd.s32 $0x88, s3;
	s6 =	simm.s32 @!p1 $0x1082;
	[sflag:s4] =	ssyncset.s32 $0xFFFFF086  }
0x25: {  	[simem:s6], [sflag:s4] =	dma.local [hbm:s3], $0xF7A  }
0x26: {  	[smem:$0x3F9E] =	sst s1;
	(tag) =	ssettag s2;
	_ =	strace s9  }
0x27: {  	s1 =	sld [smem:$0x3FAE]  }
0x28: {  	s2 =	sld [smem:$0x3FAF]  }
0x29: {  	s4 =	sld [smem:$0x3FB1]  }
0x2a: {  	p0 =	seq.s32 s5, $0x0;
	s5 =	sld [smem:$0x3FB2]  }
0x2b: {  	s6 =	sld [smem:$0x3FB3]  }
0x2c: {  	s7 =	sld [smem:$0x3FB4]  }
0x2d: {  	s3 =	simm.s32 $0x108;
	s8 =	sld [smem:$0x3FB5]  }
0x2e: {  	s3 =	simm.s32 @!p0 $0x1082;
	s9 =	sld [smem:$0x3FB6]  }
0x2f: {  	lr =	sadd.s32 s0, s3;
	s0 =	sld [smem:$0x3FAD]  }
0x30: {  	s3 =	sld [smem:$0x3FB0]  }
0x31: {  	[smem:$0x3FB9] =	sst s10  }
0x32: {  	s10 =	sld [smem:$0x3FB7];
	_ =	sdelay $0x3  }
0x33: {  	p0 =	seq.s32 s10, $0x1;
	s10 =	sld [smem:$0x3FB9];
	_ =	sdelay $0x3  }
0x34: {  	[smem:$0x3FB9] =	sst s10  }
0x35: {  	s10 =	sld [smem:$0x3FB8];
	_ =	sdelay $0x3  }
0x36: {  	p1 =	seq.s32 s10, $0x1;
	s10 =	sld [smem:$0x3FB9];
	_ =	sdelay $0x3  }
0x37: {  	[smem:$0x3FB9] =	sst s10  }
0x38: {  	s10 =	sld [smem:$0x3FBA]  }
0x39: {  	_ = 	snop;
	(pc) =	sbr.ind lr, $3  }
0x3a: {  	_ = 	snop  }
0x3b: {  	_ = 	snop  }
0x3c: {  	p2 =	seq.s32 s10, $0x1;
	s10 =	sld [smem:$0x3FB9]  }
0x3d: {  	_ =	shalt  }
0x3e: {  	_ =	shalt  }
0x3f: {  	_ =	shalt  }
0x40: {  	_ =	shalt  }
0x41: {  	_ =	shalt  }
0x42: {  	_ =	shalt  }
0x43: {  	_ =	shalt  }
0x44: {  	_ =	shalt  }
0x45: {  	_ =	shalt  }
0x46: {  	_ =	shalt  }
0x47: {  	_ =	shalt  }
0x48: {  	_ =	shalt  }
0x49: {  	_ =	shalt  }
0x4a: {  	_ =	shalt  }
0x4b: {  	_ =	shalt  }
0x4c: {  	_ =	shalt  }
0x4d: {  	_ =	shalt  }
0x4e: {  	_ =	shalt  }
0x4f: {  	_ =	shalt  }
0x50: {  	_ =	shalt  }
0x51: {  	_ =	shalt  }
0x52: {  	_ =	shalt  }
0x53: {  	_ =	shalt  }
0x54: {  	_ =	shalt  }
0x55: {  	_ =	shalt  }
0x56: {  	_ =	shalt  }
0x57: {  	_ =	shalt  }
0x58: {  	_ =	shalt  }
0x59: {  	_ =	shalt  }
0x5a: {  	_ =	shalt  }
0x5b: {  	_ =	shalt  }
0x5c: {  	_ =	shalt  }
0x5d: {  	_ =	shalt  }
0x5e: {  	_ =	shalt  }
0x5f: {  	_ =	shalt  }
0x60: {  	_ =	shalt  }
0x61: {  	_ =	shalt  }
0x62: {  	_ =	shalt  }
0x63: {  	_ =	shalt  }
0x64: {  	_ =	shalt  }
0x65: {  	_ =	shalt  }
0x66: {  	_ =	shalt  }
0x67: {  	_ =	shalt  }
0x68: {  	_ =	shalt  }
0x69: {  	_ =	shalt  }
0x6a: {  	_ =	shalt  }
0x6b: {  	_ =	shalt  }
0x6c: {  	_ =	shalt  }
0x6d: {  	_ =	shalt  }
0x6e: {  	_ =	shalt  }
0x6f: {  	_ =	shalt  }
0x70: {  	_ =	shalt  }
0x71: {  	_ =	shalt  }
0x72: {  	_ =	shalt  }
0x73: {  	_ =	shalt  }
0x74: {  	_ =	shalt  }
0x75: {  	_ =	shalt  }
0x76: {  	_ =	shalt  }
0x77: {  	_ =	shalt  }
0x78: {  	_ =	shalt  }
0x79: {  	_ =	shalt  }
0x7a: {  	_ =	shalt  }
0x7b: {  	_ =	shalt  }
0x7c: {  	_ =	shalt  }
0x7d: {  	_ =	shalt  }
0x7e: {  	_ =	shalt  }
0x7f: {  	_ =	shalt  }
0x80: {  	_ =	shalt  }
0x81: {  	_ =	shalt  }
0x82: {  	_ =	shalt  }
0x83: {  	_ =	shalt  }
0x84: {  	_ =	shalt  }
0x85: {  	_ =	shalt  }
0x86: {  	_ =	shalt  }
0x87: {  	_ =	shalt  }
.Lfunc_end0:
.L_simem_size_0:
called_computation_lowered:
.L_overlay_start_0:
0x88: {  	s2 =	sld [smem:$0x3FD9]  }
0x89: {  	s3 =	sld [smem:$0x3FFE];
	_ =	sdelay $0x1  }
0x8a: {  	s1 =	srdreg.scid  }
0x8b: {  	s0 =	sand.u32 $0x1, s1  }
0x8c: {  	s17 =	sshll.u32 s0, $0xA;
	s2 =	sadd.s32 s3, s2  }
0x8d: {  	s2 =	sadd.s32 s2, s17  }
0x8e: {  	[smem:$0x3FC5] =	sst s2  }
0x8f: {  	_ = 	snop  }
0x90: {  	s2 =	sld [smem:$0x3FC9]  }
0x91: {  	s18 =	sld [smem:$0x3FC8];
	(tm) =	ssettm $0x1  }
0x92: {  	s4 =	sld [smem:$0x3FFB];
	_ =	sdelay $0x3  }
0x93: {  	_ =	strace s4  }
0x94: {  	s4 =	sld [smem:$0x3FFC];
	_ =	sdelay $0x3  }
0x95: {  	_ =	strace s4  }
0x96: {  	s4 =	sld [smem:$0x3FFD];
	_ =	sdelay $0x3  }
0x97: {  	_ =	strace s4  }
0x98: {  	_ =	strace $0x8FFFFFFF  }
0x99: {  	s19 =	sld [smem:$0x3FDB];
	_ =	sdelay $0x1  }
0x9a: {  	s5 =	simm.s32 $_scs_section_size  }
0x9b: {  	s6 =	simm.s32 $_size__tile_overlayer_lowered;
	s7 =	simm.s32 $_tile_overlayer_lowered  }
0x9c: {  	s22 =	simm.s32 $0x1BFF;
	s21 =	sshll.u32 s7, $0x1;
	s4 =	sadd.s32 s5, s19  }
0x9d: {  	s8 =	simm.s32 $0x0;
	s20 =	sshll.u32 s6, $0x1;
	s6 =	sadd.s32 s21, s4  }
0x9e: {  	[timem:s8], [sflag:s22] =	dma.local [hbm:s6], s20  }
0x9f: {  	_ =	swait.ge [sflag:s22], s20  }
0xa0: {  	s5 =	ssub.s32 $0x0, s20;
	[sflag:s22] =	ssyncset.done $0x0  }
0xa1: {  	[sflag:s22] =	ssyncadd.s32 s5;
	_ =	sdelay $0x1  }
0xa2: {  	s23 =	simm.s32 $0x1B8B  }
0xa3: {  	_ =	swait.ge [sflag:s23], $0x1  }
0xa4: {  	[sflag:s23] =	ssyncset.done $0x0  }
0xa5: {  	s25 =	simm.s32 $0x1B8E;
	s24 =	sld [smem:$0x3FFE];
	[sflag:s23] =	ssyncadd.s32 $0xFFFFFFFF  }
0xa6: {  	s26 =	simm.s32 $execute0_lowered;
	[smem:$0x3FD2] =	sst s25  }
0xa7: {  	s6 =	sshll.u32 s26, $0x1;
	_ =	strace $0x80000046;
	[dreg:$0x1] =	wrdreg $0xFFFFFFFF  }
0xa8: {  	s28 =	simm.s32 $_size_execute0_lowered;
	s4 =	sadd.s32 s4, s6;
	[dreg:$0x0] =	wrdreg $0x0  }
0xa9: {  	s6 =	sshll.u32 s28, $0x1;
	[dreg:$0x2] =	wrdreg s4  }
0xaa: {  	[dreg:$0x3] =	wrdreg s6  }
0xab: {  	[dreg:$0x4] =	wrdreg $0xC0  }
0xac: {  	_ =	task [dreg:s8], $0x5FFFF  }
0xad: {  	[dreg:$0x1] =	wrdreg $0xFFFFFFFF  }
0xae: {  	[dreg:$0x0] =	wrdreg $0x60  }
0xaf: {  	[dreg:$0x2] =	wrdreg s2  }
0xb0: {  	[dreg:$0x3] =	wrdreg s18  }
0xb1: {  	[dreg:$0x4] =	wrdreg s24  }
0xb2: {  	[dreg:$0x5] =	wrdreg $0x9  }
0xb3: {  	_ =	task.clear_ibuf [dreg:s8], $0x6FFFF;
	_ =	strace $0x90000046  }
0xb4: {  	s29 =	simm.s32 $0x9;
	_ =	strace $0x80000048  }
0xb5: {  	_ =	swait.ge [sflag:s29], $0x1  }
0xb6: {  	[sflag:s29] =	ssyncadd.s32 $0xFFFFFFFF  }
0xb7: {  	_ =	strace $0x90000048  }
0xb8: {  	_ =	sfence  }
0xb9: {  	s30 =	sld [smem:$0x0];
	_ =	sdelay $0x2  }
0xba: {  	s31 =	sshll.u32 s1, $0xD;
	s1 =	sshrl.u32 s1, $0x2  }
0xbb: {  	s3 =	sand.u32 $0x4000, s31;
	s1 =	sadd.s32 s1, s30  }
0xbc: {  	s0 =	sor.u32 s3, s0;
	s1 =	sshll.u32 s1, $0x11  }
0xbd: {  	s0 =	sor.u32 s1, s0  }
0xbe: {  	s0 =	sadd.s32 $0x8F2B, s0  }
0xbf: {  	[sflag:s0] =	ssyncadd.remote.s32 $0x1  }
0xc0: {  	_ =	sfence.sel $0xFFFF  }
0xc1: {  	[dreg:$0x0] =	wrdreg $0xFFFFFFFF;
	(pc) =	sbr.abs _section_cstart, $3  }
0xc2: {  	[dreg:$0x1] =	wrdreg $0xFFFFFFFF  }
0xc3: {  	_ =	task.clear_ibuf [dreg:s8], $0x2FFFF;
	_ =	strace $0x9FFFFFFF  }
0xc4: {  	(tm) =	ssettm $0x7FFFFFFF  }
0xc5: {  	_ =	shalt  }
tec
execute0_lowered:
.L_overlay_start_1:
0x0: {  	(tag) =	ssettag $0x1  }
0x1: {  	s1 =	rddreg [dreg:$0x0]  }
0x2: {  	s2 =	srdreg.scid;
	s3 =	rddreg [dreg:$0x1]  }
0x3: {  	s0 =	stileid.u32;
	s9 =	rddreg [dreg:$0x2]  }
0x4: {  	s5 =	simm.s32 $0x0;
	s12 =	simm.s32 $0x1;
	s13 =	simm.s32 $0x2  }
0x5: {  	s14 =	simm.s32 $0xA000;
	s6 =	sand.u32 $0x1, s2;
	s29 =	sshll.u32 s0, $0x1  }
0x6: {  	s15 =	simm.s32 $0x3;
	s2 =	rddreg [dreg:$0x3];
	s4 =	sor.u32 s6, s29  }
0x7: {  	s16 =	simm.s32 $0x0;
	[smem:$0x7FF] =	sst s5;
	s7 =	smul.u32 $0x2800, s4  }
.Ltmp0:
0x8: {  	s6 =	ssub.s32 $0x2, s6;
	_ =	strace $0x80000047;
	(pc) =	sbr.rel .LBB2_1-.Ltmp0, $4  }
0x9: {  	s8 =	sshrl.u32 s6, $0x1;
	s30 =	ssub.s32 $0x341, s4;
	s11 =	sshll.u32 s4, $0x3  }
0xa: {  	s10 =	ssub.s32 s6, s8;
	s6 =	sshrl.u32 s30, $0x5;
	s7 =	sshrl.u32 s7, $0x3  }
0xb: {  	s9 =	sadd.s32 s9, s11;
	s11 =	simm.s32 $0x5000;
	s31 =	sadd.s32 $0x8C000, s7  }
0xc: {  	s10 =	smax.u32 s10, $0x1;
	s7 =	sadd.s32 s1, s31;
	s8 =	sadd.s32 s3, s31  }
.LBB2_9:
0xd: {  	v4 =	vadd.f32 v14, v4  }
0xe: {  	v0 =	vadd.f32 v3, v0  }
0xf: {  	v2 =	vadd.f32 v11, v2;
	[tilespmem:$0xA000] =	vst v4  }
0x10: {  	v63 =	vadd.f32 v15, v1;
	s16 =	sadd.s32 $0x1, s16;
	[tilespmem:$0xA010] =	vst v0  }
0x11: {  	p0 =	sne.s32 s16, s10;
	[tilespmem:$0xA020] =	vst v2  }
.Ltmp1:
0x12: {  	[tilespmem:$0xA030] =	vst v63;
	(pc) =	sbr.rel @!p0 .LBB2_10-.Ltmp1, $4  }
0x13: {  	[hbm4b:s9+s5] =	stream.linear.scatter [tilespmem:s14], [sflag:$0x3], $0x40, $0x38;
	[tilespmem:$0xA080] =	vst v63  }
0x14: {  	_ =	swait.ge [sflag:s15], $0x40  }
0x15: {  	[sflag:s15] =	ssyncset.done $0x0  }
0x16: {  	[sflag:s15] =	ssyncadd.s32 $0xFFFFFFC0  }
.LBB2_1:
.Ltmp2:
0x17: {  	(pc) =	sbr.rel .LBB2_2-.Ltmp2, $4  }
0x18: {  	_ = 	snop  }
0x19: {  	[tilespmem:s5], [sflag:$0x1] =	stream.linear.gather [hbm4b:s7+s5], $0x2800, $0x38;
	v15 =	vimm.f32 $0.0e+00;
	v11 =	vimm.f32 $0.0e+00;
	[tilespmem:$0xA080] =	vst v63  }
0x1a: {  	v3 =	vimm.f32 $0.0e+00;
	v14 =	vimm.f32 $0.0e+00;
	v1 =	vimm.f32 $0.0e+00;
	s17 =	simm.s32 $0x0  }
0x1b: {  	v2 =	vimm.f32 $0.0e+00;
	v0 =	vimm.f32 $0.0e+00;
	v4 =	vimm.f32 $0.0e+00;
	[tilespmem:s11], [sflag:$0x1] =	stream.linear.gather [hbm4b:s8+s5], $0x2800, $0x38;
	[tilespmem:$0xA080] =	vst v63  }
.LBB2_8:
0x1c: {  	s17 =	sadd.s32 $0x1, s17  }
0x1d: {  	p0 =	sne.s32 s17, $0xD  }
.Ltmp3:
0x1e: {  	_ = 	snop;
	(pc) =	sbr.rel @!p0 .LBB2_9-.Ltmp3, $1  }
0x1f: {  	_ =	sdelay $0x3  }
.LBB2_2:
0x20: {  	s18 =	sshllo.u32 s17, $0x1  }
0x21: {  	p0 =	sge.u32 s18, s6  }
0x22: {  	s18 =	sshll.u32 @!p0 s18, $0x5  }
0x23: {  	s18 =	sor.u32 @!p0 s4, s18  }
0x24: {  	s18 =	smul.u32 @!p0 $0x2800, s18;
	_ =	sdelay $0x1  }
0x25: {  	s18 =	sshrl.u32 @!p0 s18, $0x3  }
0x26: {  	s18 =	sadd.s32 @!p0 $0x8C000, s18  }
0x27: {  	s20 =	simm.s32 @!p0 $0x0;
	s21 =	simm.s32 @!p0 $0x2800;
	s19 =	sadd.s32 @!p0 s1, s18  }
0x28: {  	[tilespmem:s21], [sflag:$0x2] =	stream.linear.gather @!p0 [hbm4b:s19+s20], $0x2800, $0x38;
	[tilespmem:$0xA080] =	vst v63  }
0x29: {  	s18 =	sadd.s32 @!p0 s3, s18;
	s19 =	simm.s32 @!p0 $0x7800  }
0x2a: {  	[tilespmem:s19], [sflag:$0x2] =	stream.linear.gather @!p0 [hbm4b:s18+s20], $0x2800, $0x38;
	[tilespmem:$0xA080] =	vst v63  }
0x2b: {  	_ =	swait.ge [sflag:s12], $0x2800  }
0x2c: {  	[sflag:s12] =	ssyncset.done $0x0  }
0x2d: {  	[sflag:s12] =	ssyncadd.s32 $0xFFFFD800  }
0x2e: {  	_ =	swait.ge [sflag:s12], $0x2800  }
0x2f: {  	[sflag:s12] =	ssyncset.done $0x0  }
0x30: {  	s18 =	simm.s32 $0xF0;
	[sflag:s12] =	ssyncadd.s32 $0xFFFFD800  }
0x31: {  	v6 =	vld [tilespmem:s18+$0x5000]  }
0x32: {  	v5 =	vld [tilespmem:s18+$0xFFFFFFF0]  }
0x33: {  	v10 =	vld [tilespmem:s18+$0x4FF0]  }
0x34: {  	v20 =	vld [tilespmem:s18+$0x4F60]  }
0x35: {  	v8 =	vld [tilespmem:s18+$0x4F50]  }
0x36: {  	v18 =	vld [tilespmem:s18+$0xFFFFFF60]  }
0x37: {  	v7 =	vld [tilespmem:s18+$0xFFFFFF50]  }
0x38: {  	v13 =	vld [tilespmem:s18+$0x4FC0]  }
0x39: {  	v22 =	vld [tilespmem:s18+$0x4F40]  }
0x3a: {  	v28 =	vld [tilespmem:s18+$0xFFFFFFB0]  }
0x3b: {  	v25 =	vld [tilespmem:s18+$0xFFFFFFC0]  }
0x3c: {  	v16 =	vld [tilespmem:s18+$0xFFFFFF40]  }
0x3d: {  	v27 =	vld [tilespmem:s18+$0x4FB0]  }
0x3e: {  	v29 =	vld [tilespmem:s18+$0x4F30]  }
0x3f: {  	v17 =	vld [tilespmem:s18+$0xFFFFFF30]  }
0x40: {  	v32 =	vld [tilespmem:s18+$0x4FA0]  }
0x41: {  	v19 =	vld [tilespmem:s18+$0x4F90]  }
0x42: {  	v30 =	vld [tilespmem:s18+$0x4F20]  }
0x43: {  	v31 =	vld [tilespmem:s18+$0xFFFFFFA0]  }
0x44: {  	v34 =	vld [tilespmem:s18+$0xFFFFFF20]  }
0x45: {  	v35 =	vld [tilespmem:s18+$0x4F10];
	v9 =	vmul.f32 v20, v18;
	v21 =	vmul.f32 v22, v16  }
0x46: {  	v33 =	vld [tilespmem:s18+$0xFFFFFF90];
	v24 =	vmul.f32 v13, v16;
	v37 =	vmul.f32 v13, v25  }
0x47: {  	v12 =	vld [tilespmem:s18+$0x4FE0];
	v23 =	vmul.f32 v29, v17;
	v16 =	vmul.f32 v27, v17  }
0x48: {  	v26 =	vld [tilespmem:s18+$0xFFFFFF10];
	v13 =	vmul.f32 v8, v7;
	v36 =	vmul.f32 v32, v31  }
0x49: {  	v17 =	vld [tilespmem:s18+$0x4F70];
	v38 =	vmul.f32 v22, v25;
	v39 =	vmul.f32 v30, v31  }
0x4a: {  	v31 =	vld [tilespmem:s18+$0xFFFFFFE0];
	v22 =	vmul.f32 v27, v28;
	v40 =	vmul.f32 v30, v34  }
0x4b: {  	v25 =	vld [tilespmem:s18+$0xFFFFFF70];
	v30 =	vmul.f32 v35, v33;
	v33 =	vmul.f32 v19, v33  }
0x4c: {  	v27 =	vld [tilespmem:s18+$0xFFFFFF80];
	v18 =	vmul.f32 v12, v18;
	v15 =	vadd.f32 v36, v15;
	v39 =	vadd.f32 v39, v11  }
0x4d: {  	v28 =	vmul.f32 v29, v28;
	v29 =	vld [tilespmem:s18+$0x4F80];
	v36 =	vmul.f32 v32, v34  }
0x4e: {  	v11 =	vld [tilespmem:s18+$0x0];
	v15 =	vadd.f32 v37, v15;
	v37 =	vmul.f32 v35, v26;
	v32 =	vadd.f32 v38, v39  }
0x4f: {  	s19 =	sshll.u32 s17, $0x1;
	s20 =	simm.s32 $0x7C0;
	v35 =	vadd.f32 v40, v14;
	v14 =	vld [tilespmem:s18+$0x4FD0];
	v34 =	vmul.f32 v20, v31;
	v20 =	vmul.f32 v10, v5  }
.LBB2_3:
0x50: {  	p1 =	sne.s32 s20, $0x9FC0;
	v4 =	vadd.f32 v37, v4;
	v3 =	vadd.f32 v36, v3;
	v36 =	vld [tilespmem:s18+$0xFFFFFFD0];
	s18 =	sshra.s32 s20, $0x2;
	s20 =	sadd.s32 $0x400, s20;
	v31 =	vmul.f32 v12, v31  }
0x51: {  	v1 =	vadd.f32 v33, v1;
	v33 =	vmul.f32 v10, v25;
	v37 =	vld [tilespmem:s18+$0x5000];
	v38 =	vmul.f32 v6, v27  }
0x52: {  	v2 =	vadd.f32 v30, v2;
	v39 =	vld [tilespmem:s18+$0xFFFFFFF0];
	v3 =	vadd.f32 v24, v3;
	v24 =	vmul.f32 v17, v25  }
0x53: {  	v19 =	vmul.f32 v19, v26;
	v21 =	vadd.f32 v21, v35;
	v10 =	vld [tilespmem:s18+$0x4FF0];
	v25 =	vmul.f32 v29, v27  }
0x54: {  	v4 =	vadd.f32 v23, v4;
	v23 =	vadd.f32 v34, v32;
	v26 =	vmul.f32 v29, v11;
	v12 =	vld [tilespmem:s18+$0x4FE0]  }
0x55: {  	v0 =	vadd.f32 v19, v0;
	v11 =	vmul.f32 v6, v11;
	v34 =	vld [tilespmem:s18+$0x4F60];
	v19 =	vmul.f32 v8, v36  }
0x56: {  	v2 =	vadd.f32 v28, v2;
	v17 =	vmul.f32 v17, v5;
	v27 =	vadd.f32 v26, v23;
	v8 =	vld [tilespmem:s18+$0x4F50];
	v6 =	vmovc v37  }
0x57: {  	v1 =	vadd.f32 v22, v1;
	v15 =	vadd.f32 v31, v15;
	v22 =	vmul.f32 v14, v7;
	v28 =	vld [tilespmem:s18+$0xFFFFFF60];
	v5 =	vmovc v39  }
0x58: {  	v0 =	vadd.f32 v16, v0;
	v14 =	vmul.f32 v14, v36;
	v2 =	vadd.f32 v19, v2;
	v7 =	vld [tilespmem:s18+$0xFFFFFF50]  }
0x59: {  	v9 =	vadd.f32 v9, v21;
	v11 =	vadd.f32 v11, v15;
	v16 =	vld [tilespmem:s18+$0x4FC0]  }
0x5a: {  	v0 =	vadd.f32 v22, v0;
	v1 =	vadd.f32 v14, v1;
	v15 =	vld [tilespmem:s18+$0x4F40]  }
0x5b: {  	v3 =	vadd.f32 v18, v3;
	v35 =	vadd.f32 v25, v9;
	v14 =	vld [tilespmem:s18+$0xFFFFFFB0]  }
0x5c: {  	v4 =	vadd.f32 v13, v4;
	v0 =	vadd.f32 v33, v0;
	v18 =	vld [tilespmem:s18+$0xFFFFFFC0];
	v9 =	vmul.f32 v34, v28  }
0x5d: {  	v3 =	vadd.f32 v38, v3;
	v1 =	vadd.f32 v20, v1;
	v13 =	vld [tilespmem:s18+$0xFFFFFF40]  }
0x5e: {  	v4 =	vadd.f32 v24, v4;
	v2 =	vadd.f32 v17, v2;
	v20 =	vld [tilespmem:s18+$0x4FB0]  }
0x5f: {  	v29 =	vld [tilespmem:s18+$0x4F30]  }
0x60: {  	v17 =	vld [tilespmem:s18+$0xFFFFFF30]  }
0x61: {  	v32 =	vld [tilespmem:s18+$0x4FA0]  }
0x62: {  	v19 =	vld [tilespmem:s18+$0x4F90]  }
0x63: {  	v25 =	vld [tilespmem:s18+$0x4F20]  }
0x64: {  	v21 =	vmul.f32 v15, v13;
	v22 =	vld [tilespmem:s18+$0xFFFFFFA0]  }
0x65: {  	v37 =	vmul.f32 v16, v18;
	v24 =	vmul.f32 v16, v13;
	v36 =	vld [tilespmem:s18+$0xFFFFFF20]  }
0x66: {  	v23 =	vmul.f32 v29, v17;
	v16 =	vmul.f32 v20, v17;
	v38 =	vld [tilespmem:s18+$0x4F10]  }
0x67: {  	v33 =	vld [tilespmem:s18+$0xFFFFFF90]  }
0x68: {  	v13 =	vmul.f32 v8, v7;
	v26 =	vld [tilespmem:s18+$0xFFFFFF10]  }
0x69: {  	v39 =	vmul.f32 v15, v18;
	v30 =	vmul.f32 v32, v22;
	v17 =	vld [tilespmem:s18+$0x4F70]  }
0x6a: {  	v15 =	vmul.f32 v25, v22;
	v22 =	vmul.f32 v20, v14;
	v31 =	vld [tilespmem:s18+$0xFFFFFFE0]  }
.Ltmp4:
0x6b: {  	v20 =	vmul.f32 v25, v36;
	v11 =	vadd.f32 v30, v11;
	v25 =	vld [tilespmem:s18+$0xFFFFFF70];
	(pc) =	sbr.rel @p1 .LBB2_3-.Ltmp4, $4  }
0x6c: {  	v40 =	vadd.f32 v15, v27;
	v30 =	vmul.f32 v38, v33;
	v33 =	vmul.f32 v19, v33;
	v27 =	vld [tilespmem:s18+$0xFFFFFF80]  }
0x6d: {  	v18 =	vmul.f32 v12, v28;
	v36 =	vmul.f32 v32, v36;
	v15 =	vadd.f32 v37, v11;
	v11 =	vld [tilespmem:s18+$0x0]  }
0x6e: {  	v28 =	vmul.f32 v29, v14;
	v37 =	vmul.f32 v38, v26;
	v32 =	vadd.f32 v39, v40;
	v29 =	vld [tilespmem:s18+$0x4F80]  }
0x6f: {  	v35 =	vadd.f32 v20, v35;
	v20 =	vmul.f32 v10, v5;
	v14 =	vld [tilespmem:s18+$0x4FD0];
	v34 =	vmul.f32 v34, v31  }
0x70: {  	v4 =	vadd.f32 v37, v4;
	v3 =	vadd.f32 v36, v3  }
0x71: {  	v12 =	vmul.f32 v12, v31;
	v1 =	vadd.f32 v33, v1;
	v2 =	vadd.f32 v30, v2  }
0x72: {  	v38 =	vld [tilespmem:s18+$0xFFFFFFD0];
	s18 =	sadd.s32 $0x2, s19;
	v19 =	vmul.f32 v19, v26;
	v21 =	vadd.f32 v21, v35;
	v61 =	vadd.f32 v34, v32  }
0x73: {  	v10 =	vmul.f32 v10, v25;
	p1 =	sge.u32 s18, s6;
	v3 =	vadd.f32 v24, v3;
	v4 =	vadd.f32 v23, v4  }
0x74: {  	s18 =	sshll.u32 @!p1 s18, $0x5;
	v0 =	vadd.f32 v19, v0;
	v63 =	vmul.f32 v6, v11;
	v2 =	vadd.f32 v28, v2  }
0x75: {  	v1 =	vadd.f32 v22, v1;
	v12 =	vadd.f32 v12, v15;
	v62 =	vmul.f32 v29, v11;
	s18 =	sor.u32 @!p1 s4, s18  }
0x76: {  	v9 =	vadd.f32 v9, v21;
	s18 =	smul.u32 @!p1 $0x2800, s18;
	v7 =	vmul.f32 v14, v7;
	v0 =	vadd.f32 v16, v0  }
0x77: {  	v15 =	vadd.f32 v63, v12;
	v3 =	vadd.f32 v18, v3;
	v8 =	vmul.f32 v8, v38  }
0x78: {  	v6 =	vmul.f32 v6, v27;
	v4 =	vadd.f32 v13, v4;
	v11 =	vadd.f32 v62, v61;
	s18 =	sshrl.u32 @!p1 s18, $0x3  }
.Ltmp5:
0x79: {  	v0 =	vadd.f32 v7, v0;
	v2 =	vadd.f32 v8, v2;
	v8 =	vmul.f32 v14, v38;
	s18 =	sadd.s32 @!p1 $0x8C000, s18;
	(pc) =	sbr.rel @p0 .LBB2_8-.Ltmp5, $4  }
0x7a: {  	s20 =	simm.s32 @!p1 $0x0;
	v7 =	vmul.f32 v17, v25;
	v3 =	vadd.f32 v6, v3;
	v14 =	vmul.f32 v29, v27;
	s19 =	sadd.s32 @!p1 s1, s18  }
0x7b: {  	v5 =	vmul.f32 v17, v5;
	v0 =	vadd.f32 v10, v0;
	v1 =	vadd.f32 v8, v1;
	[tilespmem:s20], [sflag:$0x1] =	stream.linear.gather @!p1 [hbm4b:s19+s20], $0x2800, $0x38;
	[tilespmem:$0xA080] =	vst v63  }
0x7c: {  	s18 =	sadd.s32 @!p1 s3, s18;
	v4 =	vadd.f32 v7, v4;
	v14 =	vadd.f32 v14, v9;
	s19 =	simm.s32 @!p1 $0x5000  }
0x7d: {  	v2 =	vadd.f32 v5, v2;
	[tilespmem:s19], [sflag:$0x1] =	stream.linear.gather @!p1 [hbm4b:s18+s20], $0x2800, $0x38;
	v1 =	vadd.f32 v20, v1;
	[tilespmem:$0xA080] =	vst v63  }
0x7e: {  	_ =	swait.ge [sflag:s13], $0x2800  }
0x7f: {  	[sflag:s13] =	ssyncset.done $0x0  }
0x80: {  	[sflag:s13] =	ssyncadd.s32 $0xFFFFD800  }
0x81: {  	_ =	swait.ge [sflag:s13], $0x2800  }
0x82: {  	[sflag:s13] =	ssyncset.done $0x0  }
0x83: {  	s18 =	simm.s32 $0xF0;
	[sflag:s13] =	ssyncadd.s32 $0xFFFFD800  }
0x84: {  	v6 =	vld [tilespmem:s18+$0x7800]  }
0x85: {  	v5 =	vld [tilespmem:s18+$0x27F0]  }
0x86: {  	v9 =	vld [tilespmem:s18+$0x77F0]  }
0x87: {  	v21 =	vld [tilespmem:s18+$0x7760]  }
0x88: {  	v8 =	vld [tilespmem:s18+$0x7750]  }
0x89: {  	v19 =	vld [tilespmem:s18+$0x2760]  }
0x8a: {  	v7 =	vld [tilespmem:s18+$0x2750]  }
0x8b: {  	v13 =	vld [tilespmem:s18+$0x77C0]  }
0x8c: {  	v23 =	vld [tilespmem:s18+$0x7740]  }
0x8d: {  	v28 =	vld [tilespmem:s18+$0x27B0]  }
0x8e: {  	v26 =	vld [tilespmem:s18+$0x27C0]  }
0x8f: {  	v16 =	vld [tilespmem:s18+$0x2740]  }
0x90: {  	v27 =	vld [tilespmem:s18+$0x77B0]  }
0x91: {  	v29 =	vld [tilespmem:s18+$0x7730]  }
0x92: {  	v17 =	vld [tilespmem:s18+$0x2730]  }
0x93: {  	v32 =	vld [tilespmem:s18+$0x77A0]  }
0x94: {  	v18 =	vld [tilespmem:s18+$0x7790]  }
0x95: {  	v31 =	vld [tilespmem:s18+$0x7720]  }
0x96: {  	v30 =	vld [tilespmem:s18+$0x27A0]  }
0x97: {  	v34 =	vld [tilespmem:s18+$0x2720]  }
0x98: {  	v35 =	vld [tilespmem:s18+$0x7710];
	v10 =	vmul.f32 v21, v19;
	v20 =	vmul.f32 v23, v16  }
0x99: {  	v33 =	vld [tilespmem:s18+$0x2790];
	v24 =	vmul.f32 v13, v16;
	v37 =	vmul.f32 v13, v26  }
0x9a: {  	v12 =	vld [tilespmem:s18+$0x77E0];
	v22 =	vmul.f32 v29, v17;
	v16 =	vmul.f32 v27, v17  }
0x9b: {  	v25 =	vld [tilespmem:s18+$0x2710];
	v13 =	vmul.f32 v8, v7;
	v36 =	vmul.f32 v32, v30  }
0x9c: {  	v17 =	vld [tilespmem:s18+$0x7770];
	v38 =	vmul.f32 v23, v26;
	v39 =	vmul.f32 v31, v30  }
0x9d: {  	v30 =	vld [tilespmem:s18+$0x27E0];
	v23 =	vmul.f32 v27, v28;
	v40 =	vmul.f32 v31, v34  }
0x9e: {  	v26 =	vld [tilespmem:s18+$0x2770];
	v31 =	vmul.f32 v35, v33;
	v33 =	vmul.f32 v18, v33  }
0x9f: {  	v27 =	vld [tilespmem:s18+$0x2780];
	v19 =	vmul.f32 v12, v19;
	v15 =	vadd.f32 v36, v15;
	v39 =	vadd.f32 v39, v11  }
0xa0: {  	v28 =	vmul.f32 v29, v28;
	v29 =	vld [tilespmem:s18+$0x7780];
	v36 =	vmul.f32 v32, v34  }
0xa1: {  	v11 =	vld [tilespmem:s18+$0x2800];
	v15 =	vadd.f32 v37, v15;
	v37 =	vmul.f32 v35, v25;
	v32 =	vadd.f32 v38, v39  }
0xa2: {  	s19 =	simm.s32 $0x7C0;
	v35 =	vadd.f32 v40, v14;
	v14 =	vld [tilespmem:s18+$0x77D0];
	v34 =	vmul.f32 v21, v30;
	v21 =	vmul.f32 v9, v5  }
.LBB2_6:
0xa3: {  	p0 =	sne.s32 s19, $0x9FC0;
	v4 =	vadd.f32 v37, v4;
	v3 =	vadd.f32 v36, v3;
	v36 =	vld [tilespmem:s18+$0x27D0];
	s18 =	sshra.s32 s19, $0x2;
	s19 =	sadd.s32 $0x400, s19;
	v30 =	vmul.f32 v12, v30  }
0xa4: {  	v1 =	vadd.f32 v33, v1;
	v33 =	vmul.f32 v9, v26;
	v37 =	vld [tilespmem:s18+$0x7800];
	v38 =	vmul.f32 v6, v27  }
0xa5: {  	v2 =	vadd.f32 v31, v2;
	v39 =	vld [tilespmem:s18+$0x27F0];
	v3 =	vadd.f32 v24, v3;
	v24 =	vmul.f32 v17, v26  }
0xa6: {  	v18 =	vmul.f32 v18, v25;
	v20 =	vadd.f32 v20, v35;
	v9 =	vld [tilespmem:s18+$0x77F0];
	v25 =	vmul.f32 v29, v27  }
0xa7: {  	v4 =	vadd.f32 v22, v4;
	v22 =	vadd.f32 v34, v32;
	v26 =	vmul.f32 v29, v11;
	v12 =	vld [tilespmem:s18+$0x77E0]  }
0xa8: {  	v0 =	vadd.f32 v18, v0;
	v11 =	vmul.f32 v6, v11;
	v34 =	vld [tilespmem:s18+$0x7760];
	v18 =	vmul.f32 v8, v36  }
0xa9: {  	v2 =	vadd.f32 v28, v2;
	v17 =	vmul.f32 v17, v5;
	v27 =	vadd.f32 v26, v22;
	v8 =	vld [tilespmem:s18+$0x7750];
	v6 =	vmovc v37  }
0xaa: {  	v1 =	vadd.f32 v23, v1;
	v15 =	vadd.f32 v30, v15;
	v22 =	vmul.f32 v14, v7;
	v28 =	vld [tilespmem:s18+$0x2760];
	v5 =	vmovc v39  }
0xab: {  	v0 =	vadd.f32 v16, v0;
	v14 =	vmul.f32 v14, v36;
	v2 =	vadd.f32 v18, v2;
	v7 =	vld [tilespmem:s18+$0x2750]  }
0xac: {  	v10 =	vadd.f32 v10, v20;
	v11 =	vadd.f32 v11, v15;
	v16 =	vld [tilespmem:s18+$0x77C0]  }
0xad: {  	v0 =	vadd.f32 v22, v0;
	v1 =	vadd.f32 v14, v1;
	v15 =	vld [tilespmem:s18+$0x7740]  }
0xae: {  	v3 =	vadd.f32 v19, v3;
	v35 =	vadd.f32 v25, v10;
	v14 =	vld [tilespmem:s18+$0x27B0]  }
0xaf: {  	v4 =	vadd.f32 v13, v4;
	v0 =	vadd.f32 v33, v0;
	v19 =	vld [tilespmem:s18+$0x27C0];
	v10 =	vmul.f32 v34, v28  }
0xb0: {  	v3 =	vadd.f32 v38, v3;
	v1 =	vadd.f32 v21, v1;
	v13 =	vld [tilespmem:s18+$0x2740]  }
0xb1: {  	v4 =	vadd.f32 v24, v4;
	v2 =	vadd.f32 v17, v2;
	v21 =	vld [tilespmem:s18+$0x77B0]  }
0xb2: {  	v29 =	vld [tilespmem:s18+$0x7730]  }
0xb3: {  	v17 =	vld [tilespmem:s18+$0x2730]  }
0xb4: {  	v32 =	vld [tilespmem:s18+$0x77A0]  }
0xb5: {  	v18 =	vld [tilespmem:s18+$0x7790]  }
0xb6: {  	v26 =	vld [tilespmem:s18+$0x7720]  }
0xb7: {  	v20 =	vmul.f32 v15, v13;
	v23 =	vld [tilespmem:s18+$0x27A0]  }
0xb8: {  	v37 =	vmul.f32 v16, v19;
	v24 =	vmul.f32 v16, v13;
	v36 =	vld [tilespmem:s18+$0x2720]  }
0xb9: {  	v22 =	vmul.f32 v29, v17;
	v16 =	vmul.f32 v21, v17;
	v38 =	vld [tilespmem:s18+$0x7710]  }
0xba: {  	v33 =	vld [tilespmem:s18+$0x2790]  }
0xbb: {  	v13 =	vmul.f32 v8, v7;
	v25 =	vld [tilespmem:s18+$0x2710]  }
0xbc: {  	v39 =	vmul.f32 v15, v19;
	v31 =	vmul.f32 v32, v23;
	v17 =	vld [tilespmem:s18+$0x7770]  }
0xbd: {  	v15 =	vmul.f32 v26, v23;
	v23 =	vmul.f32 v21, v14;
	v30 =	vld [tilespmem:s18+$0x27E0]  }
.Ltmp6:
0xbe: {  	v21 =	vmul.f32 v26, v36;
	v11 =	vadd.f32 v31, v11;
	v26 =	vld [tilespmem:s18+$0x2770];
	(pc) =	sbr.rel @p0 .LBB2_6-.Ltmp6, $4  }
0xbf: {  	v40 =	vadd.f32 v15, v27;
	v31 =	vmul.f32 v38, v33;
	v33 =	vmul.f32 v18, v33;
	v27 =	vld [tilespmem:s18+$0x2780]  }
0xc0: {  	v19 =	vmul.f32 v12, v28;
	v36 =	vmul.f32 v32, v36;
	v15 =	vadd.f32 v37, v11;
	v11 =	vld [tilespmem:s18+$0x2800]  }
0xc1: {  	v28 =	vmul.f32 v29, v14;
	v37 =	vmul.f32 v38, v25;
	v32 =	vadd.f32 v39, v40;
	v29 =	vld [tilespmem:s18+$0x7780]  }
0xc2: {  	v35 =	vadd.f32 v21, v35;
	v21 =	vmul.f32 v9, v5;
	v14 =	vld [tilespmem:s18+$0x77D0];
	v34 =	vmul.f32 v34, v30  }
0xc3: {  	v4 =	vadd.f32 v37, v4;
	v3 =	vadd.f32 v36, v3  }
0xc4: {  	v12 =	vmul.f32 v12, v30;
	v1 =	vadd.f32 v33, v1;
	v2 =	vadd.f32 v31, v2  }
0xc5: {  	v38 =	vld [tilespmem:s18+$0x27D0];
	v18 =	vmul.f32 v18, v25;
	v20 =	vadd.f32 v20, v35;
	v61 =	vadd.f32 v34, v32  }
0xc6: {  	v9 =	vmul.f32 v9, v26;
	v3 =	vadd.f32 v24, v3;
	v4 =	vadd.f32 v22, v4  }
0xc7: {  	v0 =	vadd.f32 v18, v0;
	v63 =	vmul.f32 v6, v11;
	v2 =	vadd.f32 v28, v2  }
0xc8: {  	v1 =	vadd.f32 v23, v1;
	v12 =	vadd.f32 v12, v15;
	v62 =	vmul.f32 v29, v11  }
0xc9: {  	v10 =	vadd.f32 v10, v20;
	v7 =	vmul.f32 v14, v7;
	v0 =	vadd.f32 v16, v0  }
0xca: {  	v15 =	vadd.f32 v63, v12;
	v3 =	vadd.f32 v19, v3;
	v8 =	vmul.f32 v8, v38  }
0xcb: {  	v6 =	vmul.f32 v6, v27;
	v4 =	vadd.f32 v13, v4;
	v11 =	vadd.f32 v62, v61  }
.Ltmp7:
0xcc: {  	v0 =	vadd.f32 v7, v0;
	v2 =	vadd.f32 v8, v2;
	v8 =	vmul.f32 v14, v38;
	(pc) =	sbr.rel .LBB2_8-.Ltmp7, $4  }
0xcd: {  	v7 =	vmul.f32 v17, v26;
	v3 =	vadd.f32 v6, v3;
	v14 =	vmul.f32 v29, v27  }
0xce: {  	v5 =	vmul.f32 v17, v5;
	v0 =	vadd.f32 v9, v0;
	v1 =	vadd.f32 v8, v1  }
0xcf: {  	v4 =	vadd.f32 v7, v4;
	v14 =	vadd.f32 v14, v10  }
0xd0: {  	v2 =	vadd.f32 v5, v2;
	v1 =	vadd.f32 v21, v1  }
.LBB2_10:
0xd1: {  	_ =	sfence.sel $0x180000  }
0xd2: {  	[bflag:$0x0] =	sbarrier.arrive $0xFFFF  }
0xd3: {  	p0 =	sne.s32 s0, $0x0;
	_ =	strace $0x90000047  }
0xd4: {  	s0 =	sadd.s32 @!p0 $0x100000, s2;
	[bflag:$0x2] =	sbarrier.arrive $0xFFFF  }
0xd5: {  	[sflag:s0] =	ssyncadd.tile.s32 @!p0 $0x1;
	_ =	shalt  }
.Lfunc_end2:
_tile_overlayer_lowered:
.L_overlay_start_2:
0xd6: {  	(tag) =	ssettag $0x2  }
0xd7: {  	s0 =	rddreg [dreg:$0x0];
	s2 =	stileid.u32  }
0xd8: {  	s1 =	rddreg [dreg:$0x1];
	p0 =	sne.s32 s2, $0x0  }
0xd9: {  	s3 =	rddreg [dreg:$0x2];
	[bflag:$0x3] =	sbarrier.arrive $0xFFFF;
	s2 =	simm.s32 @!p0 $0x1C03  }
0xda: {  	[timem:s3], [sflag:s2] =	dma.local @!p0 [hbm:s0], s1  }
0xdb: {  	s0 =	simm.s32 @!p0 $0x3  }
0xdc: {  	_ =	swait.ge @!p0 [sflag:s0], s1  }
0xdd: {  	s1 =	ssub.s32 @!p0 $0x0, s1;
	[sflag:s0] =	ssyncset.done @!p0 $0x0  }
0xde: {  	[sflag:s0] =	ssyncadd.s32 @!p0 s1  }
0xdf: {  	[bflag:$0x3] =	sbarrier.arrive $0xFFFF  }
0xe0: {  	_ =	shalt  }

</sc_bundles>
